<compile_context>
chip_gen: v7x
topology: tpu7x:2x2x1
jax: 0.10.2.dev20260603
libtpu: 0.0.44.dev20260713+nightly
codegen_flags: <defaults>
</compile_context>

<pallas_src>
import functools

import jax
import jax.numpy as jnp
from jax import lax
from jax.experimental import pallas as pl
from jax.experimental.pallas import tpu as pltpu
from jax.experimental.pallas import tpu_sc as plsc

D_MODEL = 1024
MAX_LEN = 8192
BATCH = 4
NUM_WORKERS = 32
ROWS_PER_WORKER = MAX_LEN // NUM_WORKERS
CHUNK_SIZES = (32, 56, 56, 56, 56)
CHUNK_OFFS = tuple(sum(CHUNK_SIZES[:i]) for i in range(len(CHUNK_SIZES)))
NUM_CHUNKS = len(CHUNK_SIZES)
BUF_ROWS = max(CHUNK_SIZES)
NBUF = 2


def _broadcast_body(table_hbm, out_hbm, *rest):
    bufs, (gsem, ssem) = rest[:NBUF], rest[NBUF:]
    cid = lax.axis_index("c")
    sid = lax.axis_index("s")
    wid = cid * 16 + sid
    base = wid * ROWS_PER_WORKER

    def gather(g):
        rows = CHUNK_SIZES[g]
        return pltpu.make_async_copy(
            table_hbm.at[pl.ds(base + CHUNK_OFFS[g], rows)],
            bufs[g % NBUF].at[pl.ds(0, rows)], gsem)

    gathers = [gather(g) for g in range(NUM_CHUNKS)]
    gathers[0].start()

    outstanding = []
    for g in range(NUM_CHUNKS):
        gathers[g].wait()
        scats = []
        for b in range(BATCH):
            sc = pltpu.make_async_copy(
                bufs[g % NBUF].at[pl.ds(0, CHUNK_SIZES[g])],
                out_hbm.at[b, pl.ds(base + CHUNK_OFFS[g], CHUNK_SIZES[g])],
                ssem)
            sc.start()
            scats.append(sc)
        outstanding.append(scats)
        if g + 1 < NUM_CHUNKS:
            if len(outstanding) >= NBUF:
                for sc in outstanding.pop(0):
                    sc.wait()
            gathers[g + 1].start()
    for scats in outstanding:
        for sc in scats:
            sc.wait()


@functools.partial(jax.jit, static_argnames=())
def _broadcast_table(table):
    mesh = plsc.VectorSubcoreMesh(core_axis_name="c", subcore_axis_name="s")
    run = pl.kernel(
        _broadcast_body,
        out_type=jax.ShapeDtypeStruct((BATCH, MAX_LEN, D_MODEL), jnp.float32),
        mesh=mesh,
        scratch_types=(
            [pltpu.VMEM((BUF_ROWS, D_MODEL), jnp.float32) for _ in range(NBUF)]
            + [pltpu.SemaphoreType.DMA, pltpu.SemaphoreType.DMA]
        ),
    )
    return run(table)


def kernel(x, table):
    del x
    return _broadcast_table(table)

# --- scband reference (transcript-rebuilt; emitter-appended) ---
"""Pipeline reference for scband-random-positional-encoding-6554120093814 (READ-ONLY COPY).

The authoritative reference and input builder live on the scoring server;
editing this copy changes nothing except your own understanding.
"""

import jax, jax.numpy as jnp
import numpy as np

D_MODEL = 1024
MAX_LEN = 8192
BATCH = 4
SEQ_LEN = 8192

def setup_inputs(seed: int = 0) -> dict:
    key = jax.random.key(seed)
    k1, k2 = jax.random.split(key)
    x = jax.random.randint(k1, (BATCH, SEQ_LEN), 0, MAX_LEN, dtype=jnp.int64 if jax.config.jax_enable_x64 else jnp.int32)
    table = jax.random.normal(k2, (MAX_LEN, D_MODEL), dtype=jnp.float32)
    return {"x": x, "table": table}

def reference(x, table):
    batch_size, seq_len = x.shape[0], x.shape[1]
    positions = jnp.arange(seq_len)[None, :]
    positions = jnp.broadcast_to(positions, (batch_size, seq_len))
    out = jnp.take(table, positions, axis=0)
    return out

if __name__ == "__main__":
    import jax
    _d = setup_inputs()
    print(jax.jit(kernel)(*tuple(_d.values())))

</pallas_src>

<mosaic_0001>
#map = affine_map<(d0, d1) -> (0, 0)>
#map1 = affine_map<(d0, d1) -> (0, 0, 0)>
module attributes {stable_mosaic.version = 14 : i64} {
  func.func @_broadcast_body(%arg0: i32, %arg1: i32, %arg2: memref<8192x1024xf32, #tpu.memory_space<hbm>>, %arg3: memref<4x8192x1024xf32, #tpu.memory_space<hbm>>, %arg4: memref<56x1024xf32, #tpu.memory_space<vmem>>, %arg5: memref<56x1024xf32, #tpu.memory_space<vmem>>, %arg6: memref<!tpu.dma_semaphore, #tpu.memory_space<semaphore_mem>>, %arg7: memref<!tpu.dma_semaphore, #tpu.memory_space<semaphore_mem>>) attributes {dimension_semantics = [#tpu.dimension_semantics<core_parallel>, #tpu.dimension_semantics<subcore_parallel>], iteration_bounds = array<i64: 2, 16>, scalar_prefetch = 0 : i64, scratch_operands = 4 : i64, tpu.core_type = #tpu.core_type<sc_vector_subcore>, window_params = [{transform_indices = #map}, {transform_indices = #map1}]} {
    %mul3A = arith.constant 16 : i32
    %mul3A_0 = arith.muli %arg0, %mul3A : i32
    %add3A = arith.addi %mul3A_0, %arg1 : i32
    %mul3A_1 = arith.constant 256 : i32
    %mul3A_2 = arith.muli %add3A, %mul3A_1 : i32
    %add3A_3 = arith.constant 0 : i32
    %add3A_4 = arith.addi %mul3A_2, %add3A_3 : i32
    %add3A_5 = arith.constant 32 : i32
    %add3A_6 = arith.addi %mul3A_2, %add3A_5 : i32
    %add3A_7 = arith.constant 88 : i32
    %add3A_8 = arith.addi %mul3A_2, %add3A_7 : i32
    %add3A_9 = arith.constant 144 : i32
    %add3A_10 = arith.addi %mul3A_2, %add3A_9 : i32
    %add3A_11 = arith.constant 200 : i32
    %add3A_12 = arith.addi %mul3A_2, %add3A_11 : i32
    %dma_start3A = arith.constant 0 : i32
    %dma_start3A_13 = arith.constant 0 : i32
    %dma_start3A_14 = tpu.memref_slice %arg4[%dma_start3A, %dma_start3A_13] : memref<56x1024xf32, #tpu.memory_space<vmem>> -> memref<32x1024xf32, #tpu.memory_space<vmem>>
    %dma_start3A_15 = arith.constant 0 : i32
    %dma_start3A_16 = tpu.memref_slice %arg2[%add3A_4, %dma_start3A_15] : memref<8192x1024xf32, #tpu.memory_space<hbm>> -> memref<32x1024xf32, #tpu.memory_space<hbm>>
    %dma_start3A_17 = arith.constant 0 : i32
    %dma_start3A_18 = arith.constant 0 : i32
    %dma_start3A_19 = tpu.memref_slice %arg4[%dma_start3A_17, %dma_start3A_18] : memref<56x1024xf32, #tpu.memory_space<vmem>> -> memref<32x1024xf32, #tpu.memory_space<vmem>>
    %dma_start3A_20 = arith.constant 0 : i32
    %dma_start3A_21 = tpu.memref_slice %arg2[%add3A_4, %dma_start3A_20] : memref<8192x1024xf32, #tpu.memory_space<hbm>> -> memref<32x1024xf32, #tpu.memory_space<hbm>>
    tpu.enqueue_dma source(%dma_start3A_21 : memref<32x1024xf32, #tpu.memory_space<hbm>>) target(%dma_start3A_19 : memref<32x1024xf32, #tpu.memory_space<vmem>>) target_semaphore(%arg6 : memref<!tpu.dma_semaphore, #tpu.memory_space<semaphore_mem>>)
    %dma_wait3A = arith.constant 0 : i32
    %dma_wait3A_22 = arith.constant 0 : i32
    %dma_wait3A_23 = tpu.memref_slice %arg4[%dma_wait3A, %dma_wait3A_22] : memref<56x1024xf32, #tpu.memory_space<vmem>> -> memref<32x1024xf32, #tpu.memory_space<vmem>>
    %dma_wait3A_24 = arith.constant 0 : i32
    %dma_wait3A_25 = tpu.memref_slice %arg2[%add3A_4, %dma_wait3A_24] : memref<8192x1024xf32, #tpu.memory_space<hbm>> -> memref<32x1024xf32, #tpu.memory_space<hbm>>
    %dma_wait3A_26 = arith.constant 0 : i32
    %dma_wait3A_27 = arith.constant 0 : i32
    %dma_wait3A_28 = tpu.memref_slice %arg4[%dma_wait3A_26, %dma_wait3A_27] : memref<56x1024xf32, #tpu.memory_space<vmem>> -> memref<32x1024xf32, #tpu.memory_space<vmem>>
    %dma_wait3A_29 = arith.constant 0 : i32
    %dma_wait3A_30 = tpu.memref_slice %arg2[%add3A_4, %dma_wait3A_29] : memref<8192x1024xf32, #tpu.memory_space<hbm>> -> memref<32x1024xf32, #tpu.memory_space<hbm>>
    tpu.wait_dma2 semaphore(%arg6 : memref<!tpu.dma_semaphore, #tpu.memory_space<semaphore_mem>>) src(%dma_wait3A_30 : memref<32x1024xf32, #tpu.memory_space<hbm>>) dst(%dma_wait3A_28 : memref<32x1024xf32, #tpu.memory_space<vmem>>)
    %add3A_31 = arith.constant 0 : i32
    %add3A_32 = arith.addi %mul3A_2, %add3A_31 : i32
    %dma_start3A_33 = arith.constant 0 : i32
    %dma_start3A_34 = arith.constant 0 : i32
    %dma_start3A_35 = arith.constant 0 : i32
    %dma_start3A_36 = tpu.memref_slice %arg4[%dma_start3A_34, %dma_start3A_35] : memref<56x1024xf32, #tpu.memory_space<vmem>> -> memref<32x1024xf32, #tpu.memory_space<vmem>>
    %dma_start3A_37 = arith.constant 0 : i32
    %dma_start3A_38 = tpu.memref_slice %arg3[%dma_start3A_33, %add3A_32, %dma_start3A_37] : memref<4x8192x1024xf32, #tpu.memory_space<hbm>> -> memref<1x32x1024xf32, #tpu.memory_space<hbm>>
    %dma_start3A_39 = tpu.memref_squeeze %dma_start3A_38 : memref<1x32x1024xf32, #tpu.memory_space<hbm>> -> memref<32x1024xf32, #tpu.memory_space<hbm>>
    %dma_start3A_40 = arith.constant 0 : i32
    %dma_start3A_41 = tpu.memref_slice %arg3[%dma_start3A_33, %add3A_32, %dma_start3A_40] : memref<4x8192x1024xf32, #tpu.memory_space<hbm>> -> memref<1x32x1024xf32, #tpu.memory_space<hbm>>
    %dma_start3A_42 = tpu.memref_squeeze %dma_start3A_41 : memref<1x32x1024xf32, #tpu.memory_space<hbm>> -> memref<32x1024xf32, #tpu.memory_space<hbm>>
    %dma_start3A_43 = arith.constant 0 : i32
    %dma_start3A_44 = arith.constant 0 : i32
    %dma_start3A_45 = tpu.memref_slice %arg4[%dma_start3A_43, %dma_start3A_44] : memref<56x1024xf32, #tpu.memory_space<vmem>> -> memref<32x1024xf32, #tpu.memory_space<vmem>>
    tpu.enqueue_dma source(%dma_start3A_45 : memref<32x1024xf32, #tpu.memory_space<vmem>>) target(%dma_start3A_42 : memref<32x1024xf32, #tpu.memory_space<hbm>>) target_semaphore(%arg7 : memref<!tpu.dma_semaphore, #tpu.memory_space<semaphore_mem>>)
    %add3A_46 = arith.constant 0 : i32
    %add3A_47 = arith.addi %mul3A_2, %add3A_46 : i32
    %dma_start3A_48 = arith.constant 1 : i32
    %dma_start3A_49 = arith.constant 0 : i32
    %dma_start3A_50 = arith.constant 0 : i32
    %dma_start3A_51 = tpu.memref_slice %arg4[%dma_start3A_49, %dma_start3A_50] : memref<56x1024xf32, #tpu.memory_space<vmem>> -> memref<32x1024xf32, #tpu.memory_space<vmem>>
    %dma_start3A_52 = arith.constant 0 : i32
    %dma_start3A_53 = tpu.memref_slice %arg3[%dma_start3A_48, %add3A_47, %dma_start3A_52] : memref<4x8192x1024xf32, #tpu.memory_space<hbm>> -> memref<1x32x1024xf32, #tpu.memory_space<hbm>>
    %dma_start3A_54 = tpu.memref_squeeze %dma_start3A_53 : memref<1x32x1024xf32, #tpu.memory_space<hbm>> -> memref<32x1024xf32, #tpu.memory_space<hbm>>
    %dma_start3A_55 = arith.constant 0 : i32
    %dma_start3A_56 = tpu.memref_slice %arg3[%dma_start3A_48, %add3A_47, %dma_start3A_55] : memref<4x8192x1024xf32, #tpu.memory_space<hbm>> -> memref<1x32x1024xf32, #tpu.memory_space<hbm>>
    %dma_start3A_57 = tpu.memref_squeeze %dma_start3A_56 : memref<1x32x1024xf32, #tpu.memory_space<hbm>> -> memref<32x1024xf32, #tpu.memory_space<hbm>>
    %dma_start3A_58 = arith.constant 0 : i32
    %dma_start3A_59 = arith.constant 0 : i32
    %dma_start3A_60 = tpu.memref_slice %arg4[%dma_start3A_58, %dma_start3A_59] : memref<56x1024xf32, #tpu.memory_space<vmem>> -> memref<32x1024xf32, #tpu.memory_space<vmem>>
    tpu.enqueue_dma source(%dma_start3A_60 : memref<32x1024xf32, #tpu.memory_space<vmem>>) target(%dma_start3A_57 : memref<32x1024xf32, #tpu.memory_space<hbm>>) target_semaphore(%arg7 : memref<!tpu.dma_semaphore, #tpu.memory_space<semaphore_mem>>)
    %add3A_61 = arith.constant 0 : i32
    %add3A_62 = arith.addi %mul3A_2, %add3A_61 : i32
    %dma_start3A_63 = arith.constant 2 : i32
    %dma_start3A_64 = arith.constant 0 : i32
    %dma_start3A_65 = arith.constant 0 : i32
    %dma_start3A_66 = tpu.memref_slice %arg4[%dma_start3A_64, %dma_start3A_65] : memref<56x1024xf32, #tpu.memory_space<vmem>> -> memref<32x1024xf32, #tpu.memory_space<vmem>>
    %dma_start3A_67 = arith.constant 0 : i32
    %dma_start3A_68 = tpu.memref_slice %arg3[%dma_start3A_63, %add3A_62, %dma_start3A_67] : memref<4x8192x1024xf32, #tpu.memory_space<hbm>> -> memref<1x32x1024xf32, #tpu.memory_space<hbm>>
    %dma_start3A_69 = tpu.memref_squeeze %dma_start3A_68 : memref<1x32x1024xf32, #tpu.memory_space<hbm>> -> memref<32x1024xf32, #tpu.memory_space<hbm>>
    %dma_start3A_70 = arith.constant 0 : i32
    %dma_start3A_71 = tpu.memref_slice %arg3[%dma_start3A_63, %add3A_62, %dma_start3A_70] : memref<4x8192x1024xf32, #tpu.memory_space<hbm>> -> memref<1x32x1024xf32, #tpu.memory_space<hbm>>
    %dma_start3A_72 = tpu.memref_squeeze %dma_start3A_71 : memref<1x32x1024xf32, #tpu.memory_space<hbm>> -> memref<32x1024xf32, #tpu.memory_space<hbm>>
    %dma_start3A_73 = arith.constant 0 : i32
    %dma_start3A_74 = arith.constant 0 : i32
    %dma_start3A_75 = tpu.memref_slice %arg4[%dma_start3A_73, %dma_start3A_74] : memref<56x1024xf32, #tpu.memory_space<vmem>> -> memref<32x1024xf32, #tpu.memory_space<vmem>>
    tpu.enqueue_dma source(%dma_start3A_75 : memref<32x1024xf32, #tpu.memory_space<vmem>>) target(%dma_start3A_72 : memref<32x1024xf32, #tpu.memory_space<hbm>>) target_semaphore(%arg7 : memref<!tpu.dma_semaphore, #tpu.memory_space<semaphore_mem>>)
    %add3A_76 = arith.constant 0 : i32
    %add3A_77 = arith.addi %mul3A_2, %add3A_76 : i32
    %dma_start3A_78 = arith.constant 3 : i32
    %dma_start3A_79 = arith.constant 0 : i32
    %dma_start3A_80 = arith.constant 0 : i32
    %dma_start3A_81 = tpu.memref_slice %arg4[%dma_start3A_79, %dma_start3A_80] : memref<56x1024xf32, #tpu.memory_space<vmem>> -> memref<32x1024xf32, #tpu.memory_space<vmem>>
    %dma_start3A_82 = arith.constant 0 : i32
    %dma_start3A_83 = tpu.memref_slice %arg3[%dma_start3A_78, %add3A_77, %dma_start3A_82] : memref<4x8192x1024xf32, #tpu.memory_space<hbm>> -> memref<1x32x1024xf32, #tpu.memory_space<hbm>>
    %dma_start3A_84 = tpu.memref_squeeze %dma_start3A_83 : memref<1x32x1024xf32, #tpu.memory_space<hbm>> -> memref<32x1024xf32, #tpu.memory_space<hbm>>
    %dma_start3A_85 = arith.constant 0 : i32
    %dma_start3A_86 = tpu.memref_slice %arg3[%dma_start3A_78, %add3A_77, %dma_start3A_85] : memref<4x8192x1024xf32, #tpu.memory_space<hbm>> -> memref<1x32x1024xf32, #tpu.memory_space<hbm>>
    %dma_start3A_87 = tpu.memref_squeeze %dma_start3A_86 : memref<1x32x1024xf32, #tpu.memory_space<hbm>> -> memref<32x1024xf32, #tpu.memory_space<hbm>>
    %dma_start3A_88 = arith.constant 0 : i32
    %dma_start3A_89 = arith.constant 0 : i32
    %dma_start3A_90 = tpu.memref_slice %arg4[%dma_start3A_88, %dma_start3A_89] : memref<56x1024xf32, #tpu.memory_space<vmem>> -> memref<32x1024xf32, #tpu.memory_space<vmem>>
    tpu.enqueue_dma source(%dma_start3A_90 : memref<32x1024xf32, #tpu.memory_space<vmem>>) target(%dma_start3A_87 : memref<32x1024xf32, #tpu.memory_space<hbm>>) target_semaphore(%arg7 : memref<!tpu.dma_semaphore, #tpu.memory_space<semaphore_mem>>)
    %dma_start3A_91 = arith.constant 0 : i32
    %dma_start3A_92 = arith.constant 0 : i32
    %dma_start3A_93 = tpu.memref_slice %arg5[%dma_start3A_91, %dma_start3A_92] : memref<56x1024xf32, #tpu.memory_space<vmem>> -> memref<56x1024xf32, #tpu.memory_space<vmem>>
    %dma_start3A_94 = arith.constant 0 : i32
    %dma_start3A_95 = tpu.memref_slice %arg2[%add3A_6, %dma_start3A_94] : memref<8192x1024xf32, #tpu.memory_space<hbm>> -> memref<56x1024xf32, #tpu.memory_space<hbm>>
    %dma_start3A_96 = arith.constant 0 : i32
    %dma_start3A_97 = arith.constant 0 : i32
    %dma_start3A_98 = tpu.memref_slice %arg5[%dma_start3A_96, %dma_start3A_97] : memref<56x1024xf32, #tpu.memory_space<vmem>> -> memref<56x1024xf32, #tpu.memory_space<vmem>>
    %dma_start3A_99 = arith.constant 0 : i32
    %dma_start3A_100 = tpu.memref_slice %arg2[%add3A_6, %dma_start3A_99] : memref<8192x1024xf32, #tpu.memory_space<hbm>> -> memref<56x1024xf32, #tpu.memory_space<hbm>>
    tpu.enqueue_dma source(%dma_start3A_100 : memref<56x1024xf32, #tpu.memory_space<hbm>>) target(%dma_start3A_98 : memref<56x1024xf32, #tpu.memory_space<vmem>>) target_semaphore(%arg6 : memref<!tpu.dma_semaphore, #tpu.memory_space<semaphore_mem>>)
    %dma_wait3A_101 = arith.constant 0 : i32
    %dma_wait3A_102 = arith.constant 0 : i32
    %dma_wait3A_103 = tpu.memref_slice %arg5[%dma_wait3A_101, %dma_wait3A_102] : memref<56x1024xf32, #tpu.memory_space<vmem>> -> memref<56x1024xf32, #tpu.memory_space<vmem>>
    %dma_wait3A_104 = arith.constant 0 : i32
    %dma_wait3A_105 = tpu.memref_slice %arg2[%add3A_6, %dma_wait3A_104] : memref<8192x1024xf32, #tpu.memory_space<hbm>> -> memref<56x1024xf32, #tpu.memory_space<hbm>>
    %dma_wait3A_106 = arith.constant 0 : i32
    %dma_wait3A_107 = arith.constant 0 : i32
    %dma_wait3A_108 = tpu.memref_slice %arg5[%dma_wait3A_106, %dma_wait3A_107] : memref<56x1024xf32, #tpu.memory_space<vmem>> -> memref<56x1024xf32, #tpu.memory_space<vmem>>
    %dma_wait3A_109 = arith.constant 0 : i32
    %dma_wait3A_110 = tpu.memref_slice %arg2[%add3A_6, %dma_wait3A_109] : memref<8192x1024xf32, #tpu.memory_space<hbm>> -> memref<56x1024xf32, #tpu.memory_space<hbm>>
    tpu.wait_dma2 semaphore(%arg6 : memref<!tpu.dma_semaphore, #tpu.memory_space<semaphore_mem>>) src(%dma_wait3A_110 : memref<56x1024xf32, #tpu.memory_space<hbm>>) dst(%dma_wait3A_108 : memref<56x1024xf32, #tpu.memory_space<vmem>>)
    %add3A_111 = arith.constant 32 : i32
    %add3A_112 = arith.addi %mul3A_2, %add3A_111 : i32
    %dma_start3A_113 = arith.constant 0 : i32
    %dma_start3A_114 = arith.constant 0 : i32
    %dma_start3A_115 = arith.constant 0 : i32
    %dma_start3A_116 = tpu.memref_slice %arg5[%dma_start3A_114, %dma_start3A_115] : memref<56x1024xf32, #tpu.memory_space<vmem>> -> memref<56x1024xf32, #tpu.memory_space<vmem>>
    %dma_start3A_117 = arith.constant 0 : i32
    %dma_start3A_118 = tpu.memref_slice %arg3[%dma_start3A_113, %add3A_112, %dma_start3A_117] : memref<4x8192x1024xf32, #tpu.memory_space<hbm>> -> memref<1x56x1024xf32, #tpu.memory_space<hbm>>
    %dma_start3A_119 = tpu.memref_squeeze %dma_start3A_118 : memref<1x56x1024xf32, #tpu.memory_space<hbm>> -> memref<56x1024xf32, #tpu.memory_space<hbm>>
    %dma_start3A_120 = arith.constant 0 : i32
    %dma_start3A_121 = tpu.memref_slice %arg3[%dma_start3A_113, %add3A_112, %dma_start3A_120] : memref<4x8192x1024xf32, #tpu.memory_space<hbm>> -> memref<1x56x1024xf32, #tpu.memory_space<hbm>>
    %dma_start3A_122 = tpu.memref_squeeze %dma_start3A_121 : memref<1x56x1024xf32, #tpu.memory_space<hbm>> -> memref<56x1024xf32, #tpu.memory_space<hbm>>
    %dma_start3A_123 = arith.constant 0 : i32
    %dma_start3A_124 = arith.constant 0 : i32
    %dma_start3A_125 = tpu.memref_slice %arg5[%dma_start3A_123, %dma_start3A_124] : memref<56x1024xf32, #tpu.memory_space<vmem>> -> memref<56x1024xf32, #tpu.memory_space<vmem>>
    tpu.enqueue_dma source(%dma_start3A_125 : memref<56x1024xf32, #tpu.memory_space<vmem>>) target(%dma_start3A_122 : memref<56x1024xf32, #tpu.memory_space<hbm>>) target_semaphore(%arg7 : memref<!tpu.dma_semaphore, #tpu.memory_space<semaphore_mem>>)
    %add3A_126 = arith.constant 32 : i32
    %add3A_127 = arith.addi %mul3A_2, %add3A_126 : i32
    %dma_start3A_128 = arith.constant 1 : i32
    %dma_start3A_129 = arith.constant 0 : i32
    %dma_start3A_130 = arith.constant 0 : i32
    %dma_start3A_131 = tpu.memref_slice %arg5[%dma_start3A_129, %dma_start3A_130] : memref<56x1024xf32, #tpu.memory_space<vmem>> -> memref<56x1024xf32, #tpu.memory_space<vmem>>
    %dma_start3A_132 = arith.constant 0 : i32
    %dma_start3A_133 = tpu.memref_slice %arg3[%dma_start3A_128, %add3A_127, %dma_start3A_132] : memref<4x8192x1024xf32, #tpu.memory_space<hbm>> -> memref<1x56x1024xf32, #tpu.memory_space<hbm>>
    %dma_start3A_134 = tpu.memref_squeeze %dma_start3A_133 : memref<1x56x1024xf32, #tpu.memory_space<hbm>> -> memref<56x1024xf32, #tpu.memory_space<hbm>>
    %dma_start3A_135 = arith.constant 0 : i32
    %dma_start3A_136 = tpu.memref_slice %arg3[%dma_start3A_128, %add3A_127, %dma_start3A_135] : memref<4x8192x1024xf32, #tpu.memory_space<hbm>> -> memref<1x56x1024xf32, #tpu.memory_space<hbm>>
    %dma_start3A_137 = tpu.memref_squeeze %dma_start3A_136 : memref<1x56x1024xf32, #tpu.memory_space<hbm>> -> memref<56x1024xf32, #tpu.memory_space<hbm>>
    %dma_start3A_138 = arith.constant 0 : i32
    %dma_start3A_139 = arith.constant 0 : i32
    %dma_start3A_140 = tpu.memref_slice %arg5[%dma_start3A_138, %dma_start3A_139] : memref<56x1024xf32, #tpu.memory_space<vmem>> -> memref<56x1024xf32, #tpu.memory_space<vmem>>
    tpu.enqueue_dma source(%dma_start3A_140 : memref<56x1024xf32, #tpu.memory_space<vmem>>) target(%dma_start3A_137 : memref<56x1024xf32, #tpu.memory_space<hbm>>) target_semaphore(%arg7 : memref<!tpu.dma_semaphore, #tpu.memory_space<semaphore_mem>>)
    %add3A_141 = arith.constant 32 : i32
    %add3A_142 = arith.addi %mul3A_2, %add3A_141 : i32
    %dma_start3A_143 = arith.constant 2 : i32
    %dma_start3A_144 = arith.constant 0 : i32
    %dma_start3A_145 = arith.constant 0 : i32
    %dma_start3A_146 = tpu.memref_slice %arg5[%dma_start3A_144, %dma_start3A_145] : memref<56x1024xf32, #tpu.memory_space<vmem>> -> memref<56x1024xf32, #tpu.memory_space<vmem>>
    %dma_start3A_147 = arith.constant 0 : i32
    %dma_start3A_148 = tpu.memref_slice %arg3[%dma_start3A_143, %add3A_142, %dma_start3A_147] : memref<4x8192x1024xf32, #tpu.memory_space<hbm>> -> memref<1x56x1024xf32, #tpu.memory_space<hbm>>
    %dma_start3A_149 = tpu.memref_squeeze %dma_start3A_148 : memref<1x56x1024xf32, #tpu.memory_space<hbm>> -> memref<56x1024xf32, #tpu.memory_space<hbm>>
    %dma_start3A_150 = arith.constant 0 : i32
    %dma_start3A_151 = tpu.memref_slice %arg3[%dma_start3A_143, %add3A_142, %dma_start3A_150] : memref<4x8192x1024xf32, #tpu.memory_space<hbm>> -> memref<1x56x1024xf32, #tpu.memory_space<hbm>>
    %dma_start3A_152 = tpu.memref_squeeze %dma_start3A_151 : memref<1x56x1024xf32, #tpu.memory_space<hbm>> -> memref<56x1024xf32, #tpu.memory_space<hbm>>
    %dma_start3A_153 = arith.constant 0 : i32
    %dma_start3A_154 = arith.constant 0 : i32
    %dma_start3A_155 = tpu.memref_slice %arg5[%dma_start3A_153, %dma_start3A_154] : memref<56x1024xf32, #tpu.memory_space<vmem>> -> memref<56x1024xf32, #tpu.memory_space<vmem>>
    tpu.enqueue_dma source(%dma_start3A_155 : memref<56x1024xf32, #tpu.memory_space<vmem>>) target(%dma_start3A_152 : memref<56x1024xf32, #tpu.memory_space<hbm>>) target_semaphore(%arg7 : memref<!tpu.dma_semaphore, #tpu.memory_space<semaphore_mem>>)
    %add3A_156 = arith.constant 32 : i32
    %add3A_157 = arith.addi %mul3A_2, %add3A_156 : i32
    %dma_start3A_158 = arith.constant 3 : i32
    %dma_start3A_159 = arith.constant 0 : i32
    %dma_start3A_160 = arith.constant 0 : i32
    %dma_start3A_161 = tpu.memref_slice %arg5[%dma_start3A_159, %dma_start3A_160] : memref<56x1024xf32, #tpu.memory_space<vmem>> -> memref<56x1024xf32, #tpu.memory_space<vmem>>
    %dma_start3A_162 = arith.constant 0 : i32
    %dma_start3A_163 = tpu.memref_slice %arg3[%dma_start3A_158, %add3A_157, %dma_start3A_162] : memref<4x8192x1024xf32, #tpu.memory_space<hbm>> -> memref<1x56x1024xf32, #tpu.memory_space<hbm>>
    %dma_start3A_164 = tpu.memref_squeeze %dma_start3A_163 : memref<1x56x1024xf32, #tpu.memory_space<hbm>> -> memref<56x1024xf32, #tpu.memory_space<hbm>>
    %dma_start3A_165 = arith.constant 0 : i32
    %dma_start3A_166 = tpu.memref_slice %arg3[%dma_start3A_158, %add3A_157, %dma_start3A_165] : memref<4x8192x1024xf32, #tpu.memory_space<hbm>> -> memref<1x56x1024xf32, #tpu.memory_space<hbm>>
    %dma_start3A_167 = tpu.memref_squeeze %dma_start3A_166 : memref<1x56x1024xf32, #tpu.memory_space<hbm>> -> memref<56x1024xf32, #tpu.memory_space<hbm>>
    %dma_start3A_168 = arith.constant 0 : i32
    %dma_start3A_169 = arith.constant 0 : i32
    %dma_start3A_170 = tpu.memref_slice %arg5[%dma_start3A_168, %dma_start3A_169] : memref<56x1024xf32, #tpu.memory_space<vmem>> -> memref<56x1024xf32, #tpu.memory_space<vmem>>
    tpu.enqueue_dma source(%dma_start3A_170 : memref<56x1024xf32, #tpu.memory_space<vmem>>) target(%dma_start3A_167 : memref<56x1024xf32, #tpu.memory_space<hbm>>) target_semaphore(%arg7 : memref<!tpu.dma_semaphore, #tpu.memory_space<semaphore_mem>>)
    %dma_wait3A_171 = arith.constant 0 : i32
    %dma_wait3A_172 = arith.constant 0 : i32
    %dma_wait3A_173 = arith.constant 0 : i32
    %dma_wait3A_174 = tpu.memref_slice %arg4[%dma_wait3A_172, %dma_wait3A_173] : memref<56x1024xf32, #tpu.memory_space<vmem>> -> memref<32x1024xf32, #tpu.memory_space<vmem>>
    %dma_wait3A_175 = arith.constant 0 : i32
    %dma_wait3A_176 = tpu.memref_slice %arg3[%dma_wait3A_171, %add3A_32, %dma_wait3A_175] : memref<4x8192x1024xf32, #tpu.memory_space<hbm>> -> memref<1x32x1024xf32, #tpu.memory_space<hbm>>
    %dma_wait3A_177 = tpu.memref_squeeze %dma_wait3A_176 : memref<1x32x1024xf32, #tpu.memory_space<hbm>> -> memref<32x1024xf32, #tpu.memory_space<hbm>>
    %dma_wait3A_178 = arith.constant 0 : i32
    %dma_wait3A_179 = tpu.memref_slice %arg3[%dma_wait3A_171, %add3A_32, %dma_wait3A_178] : memref<4x8192x1024xf32, #tpu.memory_space<hbm>> -> memref<1x32x1024xf32, #tpu.memory_space<hbm>>
    %dma_wait3A_180 = tpu.memref_squeeze %dma_wait3A_179 : memref<1x32x1024xf32, #tpu.memory_space<hbm>> -> memref<32x1024xf32, #tpu.memory_space<hbm>>
    %dma_wait3A_181 = arith.constant 0 : i32
    %dma_wait3A_182 = arith.constant 0 : i32
    %dma_wait3A_183 = tpu.memref_slice %arg4[%dma_wait3A_181, %dma_wait3A_182] : memref<56x1024xf32, #tpu.memory_space<vmem>> -> memref<32x1024xf32, #tpu.memory_space<vmem>>
    tpu.wait_dma2 semaphore(%arg7 : memref<!tpu.dma_semaphore, #tpu.memory_space<semaphore_mem>>) src(%dma_wait3A_183 : memref<32x1024xf32, #tpu.memory_space<vmem>>) dst(%dma_wait3A_180 : memref<32x1024xf32, #tpu.memory_space<hbm>>)
    %dma_wait3A_184 = arith.constant 1 : i32
    %dma_wait3A_185 = arith.constant 0 : i32
    %dma_wait3A_186 = arith.constant 0 : i32
    %dma_wait3A_187 = tpu.memref_slice %arg4[%dma_wait3A_185, %dma_wait3A_186] : memref<56x1024xf32, #tpu.memory_space<vmem>> -> memref<32x1024xf32, #tpu.memory_space<vmem>>
    %dma_wait3A_188 = arith.constant 0 : i32
    %dma_wait3A_189 = tpu.memref_slice %arg3[%dma_wait3A_184, %add3A_47, %dma_wait3A_188] : memref<4x8192x1024xf32, #tpu.memory_space<hbm>> -> memref<1x32x1024xf32, #tpu.memory_space<hbm>>
    %dma_wait3A_190 = tpu.memref_squeeze %dma_wait3A_189 : memref<1x32x1024xf32, #tpu.memory_space<hbm>> -> memref<32x1024xf32, #tpu.memory_space<hbm>>
    %dma_wait3A_191 = arith.constant 0 : i32
    %dma_wait3A_192 = tpu.memref_slice %arg3[%dma_wait3A_184, %add3A_47, %dma_wait3A_191] : memref<4x8192x1024xf32, #tpu.memory_space<hbm>> -> memref<1x32x1024xf32, #tpu.memory_space<hbm>>
    %dma_wait3A_193 = tpu.memref_squeeze %dma_wait3A_192 : memref<1x32x1024xf32, #tpu.memory_space<hbm>> -> memref<32x1024xf32, #tpu.memory_space<hbm>>
    %dma_wait3A_194 = arith.constant 0 : i32
    %dma_wait3A_195 = arith.constant 0 : i32
    %dma_wait3A_196 = tpu.memref_slice %arg4[%dma_wait3A_194, %dma_wait3A_195] : memref<56x1024xf32, #tpu.memory_space<vmem>> -> memref<32x1024xf32, #tpu.memory_space<vmem>>
    tpu.wait_dma2 semaphore(%arg7 : memref<!tpu.dma_semaphore, #tpu.memory_space<semaphore_mem>>) src(%dma_wait3A_196 : memref<32x1024xf32, #tpu.memory_space<vmem>>) dst(%dma_wait3A_193 : memref<32x1024xf32, #tpu.memory_space<hbm>>)
    %dma_wait3A_197 = arith.constant 2 : i32
    %dma_wait3A_198 = arith.constant 0 : i32
    %dma_wait3A_199 = arith.constant 0 : i32
    %dma_wait3A_200 = tpu.memref_slice %arg4[%dma_wait3A_198, %dma_wait3A_199] : memref<56x1024xf32, #tpu.memory_space<vmem>> -> memref<32x1024xf32, #tpu.memory_space<vmem>>
    %dma_wait3A_201 = arith.constant 0 : i32
    %dma_wait3A_202 = tpu.memref_slice %arg3[%dma_wait3A_197, %add3A_62, %dma_wait3A_201] : memref<4x8192x1024xf32, #tpu.memory_space<hbm>> -> memref<1x32x1024xf32, #tpu.memory_space<hbm>>
    %dma_wait3A_203 = tpu.memref_squeeze %dma_wait3A_202 : memref<1x32x1024xf32, #tpu.memory_space<hbm>> -> memref<32x1024xf32, #tpu.memory_space<hbm>>
    %dma_wait3A_204 = arith.constant 0 : i32
    %dma_wait3A_205 = tpu.memref_slice %arg3[%dma_wait3A_197, %add3A_62, %dma_wait3A_204] : memref<4x8192x1024xf32, #tpu.memory_space<hbm>> -> memref<1x32x1024xf32, #tpu.memory_space<hbm>>
    %dma_wait3A_206 = tpu.memref_squeeze %dma_wait3A_205 : memref<1x32x1024xf32, #tpu.memory_space<hbm>> -> memref<32x1024xf32, #tpu.memory_space<hbm>>
    %dma_wait3A_207 = arith.constant 0 : i32
    %dma_wait3A_208 = arith.constant 0 : i32
    %dma_wait3A_209 = tpu.memref_slice %arg4[%dma_wait3A_207, %dma_wait3A_208] : memref<56x1024xf32, #tpu.memory_space<vmem>> -> memref<32x1024xf32, #tpu.memory_space<vmem>>
    tpu.wait_dma2 semaphore(%arg7 : memref<!tpu.dma_semaphore, #tpu.memory_space<semaphore_mem>>) src(%dma_wait3A_209 : memref<32x1024xf32, #tpu.memory_space<vmem>>) dst(%dma_wait3A_206 : memref<32x1024xf32, #tpu.memory_space<hbm>>)
    %dma_wait3A_210 = arith.constant 3 : i32
    %dma_wait3A_211 = arith.constant 0 : i32
    %dma_wait3A_212 = arith.constant 0 : i32
    %dma_wait3A_213 = tpu.memref_slice %arg4[%dma_wait3A_211, %dma_wait3A_212] : memref<56x1024xf32, #tpu.memory_space<vmem>> -> memref<32x1024xf32, #tpu.memory_space<vmem>>
    %dma_wait3A_214 = arith.constant 0 : i32
    %dma_wait3A_215 = tpu.memref_slice %arg3[%dma_wait3A_210, %add3A_77, %dma_wait3A_214] : memref<4x8192x1024xf32, #tpu.memory_space<hbm>> -> memref<1x32x1024xf32, #tpu.memory_space<hbm>>
    %dma_wait3A_216 = tpu.memref_squeeze %dma_wait3A_215 : memref<1x32x1024xf32, #tpu.memory_space<hbm>> -> memref<32x1024xf32, #tpu.memory_space<hbm>>
    %dma_wait3A_217 = arith.constant 0 : i32
    %dma_wait3A_218 = tpu.memref_slice %arg3[%dma_wait3A_210, %add3A_77, %dma_wait3A_217] : memref<4x8192x1024xf32, #tpu.memory_space<hbm>> -> memref<1x32x1024xf32, #tpu.memory_space<hbm>>
    %dma_wait3A_219 = tpu.memref_squeeze %dma_wait3A_218 : memref<1x32x1024xf32, #tpu.memory_space<hbm>> -> memref<32x1024xf32, #tpu.memory_space<hbm>>
    %dma_wait3A_220 = arith.constant 0 : i32
    %dma_wait3A_221 = arith.constant 0 : i32
    %dma_wait3A_222 = tpu.memref_slice %arg4[%dma_wait3A_220, %dma_wait3A_221] : memref<56x1024xf32, #tpu.memory_space<vmem>> -> memref<32x1024xf32, #tpu.memory_space<vmem>>
    tpu.wait_dma2 semaphore(%arg7 : memref<!tpu.dma_semaphore, #tpu.memory_space<semaphore_mem>>) src(%dma_wait3A_222 : memref<32x1024xf32, #tpu.memory_space<vmem>>) dst(%dma_wait3A_219 : memref<32x1024xf32, #tpu.memory_space<hbm>>)
    %dma_start3A_223 = arith.constant 0 : i32
    %dma_start3A_224 = arith.constant 0 : i32
    %dma_start3A_225 = tpu.memref_slice %arg4[%dma_start3A_223, %dma_start3A_224] : memref<56x1024xf32, #tpu.memory_space<vmem>> -> memref<56x1024xf32, #tpu.memory_space<vmem>>
    %dma_start3A_226 = arith.constant 0 : i32
    %dma_start3A_227 = tpu.memref_slice %arg2[%add3A_8, %dma_start3A_226] : memref<8192x1024xf32, #tpu.memory_space<hbm>> -> memref<56x1024xf32, #tpu.memory_space<hbm>>
    %dma_start3A_228 = arith.constant 0 : i32
    %dma_start3A_229 = arith.constant 0 : i32
    %dma_start3A_230 = tpu.memref_slice %arg4[%dma_start3A_228, %dma_start3A_229] : memref<56x1024xf32, #tpu.memory_space<vmem>> -> memref<56x1024xf32, #tpu.memory_space<vmem>>
    %dma_start3A_231 = arith.constant 0 : i32
    %dma_start3A_232 = tpu.memref_slice %arg2[%add3A_8, %dma_start3A_231] : memref<8192x1024xf32, #tpu.memory_space<hbm>> -> memref<56x1024xf32, #tpu.memory_space<hbm>>
    tpu.enqueue_dma source(%dma_start3A_232 : memref<56x1024xf32, #tpu.memory_space<hbm>>) target(%dma_start3A_230 : memref<56x1024xf32, #tpu.memory_space<vmem>>) target_semaphore(%arg6 : memref<!tpu.dma_semaphore, #tpu.memory_space<semaphore_mem>>)
    %dma_wait3A_233 = arith.constant 0 : i32
    %dma_wait3A_234 = arith.constant 0 : i32
    %dma_wait3A_235 = tpu.memref_slice %arg4[%dma_wait3A_233, %dma_wait3A_234] : memref<56x1024xf32, #tpu.memory_space<vmem>> -> memref<56x1024xf32, #tpu.memory_space<vmem>>
    %dma_wait3A_236 = arith.constant 0 : i32
    %dma_wait3A_237 = tpu.memref_slice %arg2[%add3A_8, %dma_wait3A_236] : memref<8192x1024xf32, #tpu.memory_space<hbm>> -> memref<56x1024xf32, #tpu.memory_space<hbm>>
    %dma_wait3A_238 = arith.constant 0 : i32
    %dma_wait3A_239 = arith.constant 0 : i32
    %dma_wait3A_240 = tpu.memref_slice %arg4[%dma_wait3A_238, %dma_wait3A_239] : memref<56x1024xf32, #tpu.memory_space<vmem>> -> memref<56x1024xf32, #tpu.memory_space<vmem>>
    %dma_wait3A_241 = arith.constant 0 : i32
    %dma_wait3A_242 = tpu.memref_slice %arg2[%add3A_8, %dma_wait3A_241] : memref<8192x1024xf32, #tpu.memory_space<hbm>> -> memref<56x1024xf32, #tpu.memory_space<hbm>>
    tpu.wait_dma2 semaphore(%arg6 : memref<!tpu.dma_semaphore, #tpu.memory_space<semaphore_mem>>) src(%dma_wait3A_242 : memref<56x1024xf32, #tpu.memory_space<hbm>>) dst(%dma_wait3A_240 : memref<56x1024xf32, #tpu.memory_space<vmem>>)
    %add3A_243 = arith.constant 88 : i32
    %add3A_244 = arith.addi %mul3A_2, %add3A_243 : i32
    %dma_start3A_245 = arith.constant 0 : i32
    %dma_start3A_246 = arith.constant 0 : i32
    %dma_start3A_247 = arith.constant 0 : i32
    %dma_start3A_248 = tpu.memref_slice %arg4[%dma_start3A_246, %dma_start3A_247] : memref<56x1024xf32, #tpu.memory_space<vmem>> -> memref<56x1024xf32, #tpu.memory_space<vmem>>
    %dma_start3A_249 = arith.constant 0 : i32
    %dma_start3A_250 = tpu.memref_slice %arg3[%dma_start3A_245, %add3A_244, %dma_start3A_249] : memref<4x8192x1024xf32, #tpu.memory_space<hbm>> -> memref<1x56x1024xf32, #tpu.memory_space<hbm>>
    %dma_start3A_251 = tpu.memref_squeeze %dma_start3A_250 : memref<1x56x1024xf32, #tpu.memory_space<hbm>> -> memref<56x1024xf32, #tpu.memory_space<hbm>>
    %dma_start3A_252 = arith.constant 0 : i32
    %dma_start3A_253 = tpu.memref_slice %arg3[%dma_start3A_245, %add3A_244, %dma_start3A_252] : memref<4x8192x1024xf32, #tpu.memory_space<hbm>> -> memref<1x56x1024xf32, #tpu.memory_space<hbm>>
    %dma_start3A_254 = tpu.memref_squeeze %dma_start3A_253 : memref<1x56x1024xf32, #tpu.memory_space<hbm>> -> memref<56x1024xf32, #tpu.memory_space<hbm>>
    %dma_start3A_255 = arith.constant 0 : i32
    %dma_start3A_256 = arith.constant 0 : i32
    %dma_start3A_257 = tpu.memref_slice %arg4[%dma_start3A_255, %dma_start3A_256] : memref<56x1024xf32, #tpu.memory_space<vmem>> -> memref<56x1024xf32, #tpu.memory_space<vmem>>
    tpu.enqueue_dma source(%dma_start3A_257 : memref<56x1024xf32, #tpu.memory_space<vmem>>) target(%dma_start3A_254 : memref<56x1024xf32, #tpu.memory_space<hbm>>) target_semaphore(%arg7 : memref<!tpu.dma_semaphore, #tpu.memory_space<semaphore_mem>>)
    %add3A_258 = arith.constant 88 : i32
    %add3A_259 = arith.addi %mul3A_2, %add3A_258 : i32
    %dma_start3A_260 = arith.constant 1 : i32
    %dma_start3A_261 = arith.constant 0 : i32
    %dma_start3A_262 = arith.constant 0 : i32
    %dma_start3A_263 = tpu.memref_slice %arg4[%dma_start3A_261, %dma_start3A_262] : memref<56x1024xf32, #tpu.memory_space<vmem>> -> memref<56x1024xf32, #tpu.memory_space<vmem>>
    %dma_start3A_264 = arith.constant 0 : i32
    %dma_start3A_265 = tpu.memref_slice %arg3[%dma_start3A_260, %add3A_259, %dma_start3A_264] : memref<4x8192x1024xf32, #tpu.memory_space<hbm>> -> memref<1x56x1024xf32, #tpu.memory_space<hbm>>
    %dma_start3A_266 = tpu.memref_squeeze %dma_start3A_265 : memref<1x56x1024xf32, #tpu.memory_space<hbm>> -> memref<56x1024xf32, #tpu.memory_space<hbm>>
    %dma_start3A_267 = arith.constant 0 : i32
    %dma_start3A_268 = tpu.memref_slice %arg3[%dma_start3A_260, %add3A_259, %dma_start3A_267] : memref<4x8192x1024xf32, #tpu.memory_space<hbm>> -> memref<1x56x1024xf32, #tpu.memory_space<hbm>>
    %dma_start3A_269 = tpu.memref_squeeze %dma_start3A_268 : memref<1x56x1024xf32, #tpu.memory_space<hbm>> -> memref<56x1024xf32, #tpu.memory_space<hbm>>
    %dma_start3A_270 = arith.constant 0 : i32
    %dma_start3A_271 = arith.constant 0 : i32
    %dma_start3A_272 = tpu.memref_slice %arg4[%dma_start3A_270, %dma_start3A_271] : memref<56x1024xf32, #tpu.memory_space<vmem>> -> memref<56x1024xf32, #tpu.memory_space<vmem>>
    tpu.enqueue_dma source(%dma_start3A_272 : memref<56x1024xf32, #tpu.memory_space<vmem>>) target(%dma_start3A_269 : memref<56x1024xf32, #tpu.memory_space<hbm>>) target_semaphore(%arg7 : memref<!tpu.dma_semaphore, #tpu.memory_space<semaphore_mem>>)
    %add3A_273 = arith.constant 88 : i32
    %add3A_274 = arith.addi %mul3A_2, %add3A_273 : i32
    %dma_start3A_275 = arith.constant 2 : i32
    %dma_start3A_276 = arith.constant 0 : i32
    %dma_start3A_277 = arith.constant 0 : i32
    %dma_start3A_278 = tpu.memref_slice %arg4[%dma_start3A_276, %dma_start3A_277] : memref<56x1024xf32, #tpu.memory_space<vmem>> -> memref<56x1024xf32, #tpu.memory_space<vmem>>
    %dma_start3A_279 = arith.constant 0 : i32
    %dma_start3A_280 = tpu.memref_slice %arg3[%dma_start3A_275, %add3A_274, %dma_start3A_279] : memref<4x8192x1024xf32, #tpu.memory_space<hbm>> -> memref<1x56x1024xf32, #tpu.memory_space<hbm>>
    %dma_start3A_281 = tpu.memref_squeeze %dma_start3A_280 : memref<1x56x1024xf32, #tpu.memory_space<hbm>> -> memref<56x1024xf32, #tpu.memory_space<hbm>>
    %dma_start3A_282 = arith.constant 0 : i32
    %dma_start3A_283 = tpu.memref_slice %arg3[%dma_start3A_275, %add3A_274, %dma_start3A_282] : memref<4x8192x1024xf32, #tpu.memory_space<hbm>> -> memref<1x56x1024xf32, #tpu.memory_space<hbm>>
    %dma_start3A_284 = tpu.memref_squeeze %dma_start3A_283 : memref<1x56x1024xf32, #tpu.memory_space<hbm>> -> memref<56x1024xf32, #tpu.memory_space<hbm>>
    %dma_start3A_285 = arith.constant 0 : i32
    %dma_start3A_286 = arith.constant 0 : i32
    %dma_start3A_287 = tpu.memref_slice %arg4[%dma_start3A_285, %dma_start3A_286] : memref<56x1024xf32, #tpu.memory_space<vmem>> -> memref<56x1024xf32, #tpu.memory_space<vmem>>
    tpu.enqueue_dma source(%dma_start3A_287 : memref<56x1024xf32, #tpu.memory_space<vmem>>) target(%dma_start3A_284 : memref<56x1024xf32, #tpu.memory_space<hbm>>) target_semaphore(%arg7 : memref<!tpu.dma_semaphore, #tpu.memory_space<semaphore_mem>>)
    %add3A_288 = arith.constant 88 : i32
    %add3A_289 = arith.addi %mul3A_2, %add3A_288 : i32
    %dma_start3A_290 = arith.constant 3 : i32
    %dma_start3A_291 = arith.constant 0 : i32
    %dma_start3A_292 = arith.constant 0 : i32
    %dma_start3A_293 = tpu.memref_slice %arg4[%dma_start3A_291, %dma_start3A_292] : memref<56x1024xf32, #tpu.memory_space<vmem>> -> memref<56x1024xf32, #tpu.memory_space<vmem>>
    %dma_start3A_294 = arith.constant 0 : i32
    %dma_start3A_295 = tpu.memref_slice %arg3[%dma_start3A_290, %add3A_289, %dma_start3A_294] : memref<4x8192x1024xf32, #tpu.memory_space<hbm>> -> memref<1x56x1024xf32, #tpu.memory_space<hbm>>
    %dma_start3A_296 = tpu.memref_squeeze %dma_start3A_295 : memref<1x56x1024xf32, #tpu.memory_space<hbm>> -> memref<56x1024xf32, #tpu.memory_space<hbm>>
    %dma_start3A_297 = arith.constant 0 : i32
    %dma_start3A_298 = tpu.memref_slice %arg3[%dma_start3A_290, %add3A_289, %dma_start3A_297] : memref<4x8192x1024xf32, #tpu.memory_space<hbm>> -> memref<1x56x1024xf32, #tpu.memory_space<hbm>>
    %dma_start3A_299 = tpu.memref_squeeze %dma_start3A_298 : memref<1x56x1024xf32, #tpu.memory_space<hbm>> -> memref<56x1024xf32, #tpu.memory_space<hbm>>
    %dma_start3A_300 = arith.constant 0 : i32
    %dma_start3A_301 = arith.constant 0 : i32
    %dma_start3A_302 = tpu.memref_slice %arg4[%dma_start3A_300, %dma_start3A_301] : memref<56x1024xf32, #tpu.memory_space<vmem>> -> memref<56x1024xf32, #tpu.memory_space<vmem>>
    tpu.enqueue_dma source(%dma_start3A_302 : memref<56x1024xf32, #tpu.memory_space<vmem>>) target(%dma_start3A_299 : memref<56x1024xf32, #tpu.memory_space<hbm>>) target_semaphore(%arg7 : memref<!tpu.dma_semaphore, #tpu.memory_space<semaphore_mem>>)
    %dma_wait3A_303 = arith.constant 0 : i32
    %dma_wait3A_304 = arith.constant 0 : i32
    %dma_wait3A_305 = arith.constant 0 : i32
    %dma_wait3A_306 = tpu.memref_slice %arg5[%dma_wait3A_304, %dma_wait3A_305] : memref<56x1024xf32, #tpu.memory_space<vmem>> -> memref<56x1024xf32, #tpu.memory_space<vmem>>
    %dma_wait3A_307 = arith.constant 0 : i32
    %dma_wait3A_308 = tpu.memref_slice %arg3[%dma_wait3A_303, %add3A_112, %dma_wait3A_307] : memref<4x8192x1024xf32, #tpu.memory_space<hbm>> -> memref<1x56x1024xf32, #tpu.memory_space<hbm>>
    %dma_wait3A_309 = tpu.memref_squeeze %dma_wait3A_308 : memref<1x56x1024xf32, #tpu.memory_space<hbm>> -> memref<56x1024xf32, #tpu.memory_space<hbm>>
    %dma_wait3A_310 = arith.constant 0 : i32
    %dma_wait3A_311 = tpu.memref_slice %arg3[%dma_wait3A_303, %add3A_112, %dma_wait3A_310] : memref<4x8192x1024xf32, #tpu.memory_space<hbm>> -> memref<1x56x1024xf32, #tpu.memory_space<hbm>>
    %dma_wait3A_312 = tpu.memref_squeeze %dma_wait3A_311 : memref<1x56x1024xf32, #tpu.memory_space<hbm>> -> memref<56x1024xf32, #tpu.memory_space<hbm>>
    %dma_wait3A_313 = arith.constant 0 : i32
    %dma_wait3A_314 = arith.constant 0 : i32
    %dma_wait3A_315 = tpu.memref_slice %arg5[%dma_wait3A_313, %dma_wait3A_314] : memref<56x1024xf32, #tpu.memory_space<vmem>> -> memref<56x1024xf32, #tpu.memory_space<vmem>>
    tpu.wait_dma2 semaphore(%arg7 : memref<!tpu.dma_semaphore, #tpu.memory_space<semaphore_mem>>) src(%dma_wait3A_315 : memref<56x1024xf32, #tpu.memory_space<vmem>>) dst(%dma_wait3A_312 : memref<56x1024xf32, #tpu.memory_space<hbm>>)
    %dma_wait3A_316 = arith.constant 1 : i32
    %dma_wait3A_317 = arith.constant 0 : i32
    %dma_wait3A_318 = arith.constant 0 : i32
    %dma_wait3A_319 = tpu.memref_slice %arg5[%dma_wait3A_317, %dma_wait3A_318] : memref<56x1024xf32, #tpu.memory_space<vmem>> -> memref<56x1024xf32, #tpu.memory_space<vmem>>
    %dma_wait3A_320 = arith.constant 0 : i32
    %dma_wait3A_321 = tpu.memref_slice %arg3[%dma_wait3A_316, %add3A_127, %dma_wait3A_320] : memref<4x8192x1024xf32, #tpu.memory_space<hbm>> -> memref<1x56x1024xf32, #tpu.memory_space<hbm>>
    %dma_wait3A_322 = tpu.memref_squeeze %dma_wait3A_321 : memref<1x56x1024xf32, #tpu.memory_space<hbm>> -> memref<56x1024xf32, #tpu.memory_space<hbm>>
    %dma_wait3A_323 = arith.constant 0 : i32
    %dma_wait3A_324 = tpu.memref_slice %arg3[%dma_wait3A_316, %add3A_127, %dma_wait3A_323] : memref<4x8192x1024xf32, #tpu.memory_space<hbm>> -> memref<1x56x1024xf32, #tpu.memory_space<hbm>>
    %dma_wait3A_325 = tpu.memref_squeeze %dma_wait3A_324 : memref<1x56x1024xf32, #tpu.memory_space<hbm>> -> memref<56x1024xf32, #tpu.memory_space<hbm>>
    %dma_wait3A_326 = arith.constant 0 : i32
    %dma_wait3A_327 = arith.constant 0 : i32
    %dma_wait3A_328 = tpu.memref_slice %arg5[%dma_wait3A_326, %dma_wait3A_327] : memref<56x1024xf32, #tpu.memory_space<vmem>> -> memref<56x1024xf32, #tpu.memory_space<vmem>>
    tpu.wait_dma2 semaphore(%arg7 : memref<!tpu.dma_semaphore, #tpu.memory_space<semaphore_mem>>) src(%dma_wait3A_328 : memref<56x1024xf32, #tpu.memory_space<vmem>>) dst(%dma_wait3A_325 : memref<56x1024xf32, #tpu.memory_space<hbm>>)
    %dma_wait3A_329 = arith.constant 2 : i32
    %dma_wait3A_330 = arith.constant 0 : i32
    %dma_wait3A_331 = arith.constant 0 : i32
    %dma_wait3A_332 = tpu.memref_slice %arg5[%dma_wait3A_330, %dma_wait3A_331] : memref<56x1024xf32, #tpu.memory_space<vmem>> -> memref<56x1024xf32, #tpu.memory_space<vmem>>
    %dma_wait3A_333 = arith.constant 0 : i32
    %dma_wait3A_334 = tpu.memref_slice %arg3[%dma_wait3A_329, %add3A_142, %dma_wait3A_333] : memref<4x8192x1024xf32, #tpu.memory_space<hbm>> -> memref<1x56x1024xf32, #tpu.memory_space<hbm>>
    %dma_wait3A_335 = tpu.memref_squeeze %dma_wait3A_334 : memref<1x56x1024xf32, #tpu.memory_space<hbm>> -> memref<56x1024xf32, #tpu.memory_space<hbm>>
    %dma_wait3A_336 = arith.constant 0 : i32
    %dma_wait3A_337 = tpu.memref_slice %arg3[%dma_wait3A_329, %add3A_142, %dma_wait3A_336] : memref<4x8192x1024xf32, #tpu.memory_space<hbm>> -> memref<1x56x1024xf32, #tpu.memory_space<hbm>>
    %dma_wait3A_338 = tpu.memref_squeeze %dma_wait3A_337 : memref<1x56x1024xf32, #tpu.memory_space<hbm>> -> memref<56x1024xf32, #tpu.memory_space<hbm>>
    %dma_wait3A_339 = arith.constant 0 : i32
    %dma_wait3A_340 = arith.constant 0 : i32
    %dma_wait3A_341 = tpu.memref_slice %arg5[%dma_wait3A_339, %dma_wait3A_340] : memref<56x1024xf32, #tpu.memory_space<vmem>> -> memref<56x1024xf32, #tpu.memory_space<vmem>>
    tpu.wait_dma2 semaphore(%arg7 : memref<!tpu.dma_semaphore, #tpu.memory_space<semaphore_mem>>) src(%dma_wait3A_341 : memref<56x1024xf32, #tpu.memory_space<vmem>>) dst(%dma_wait3A_338 : memref<56x1024xf32, #tpu.memory_space<hbm>>)
    %dma_wait3A_342 = arith.constant 3 : i32
    %dma_wait3A_343 = arith.constant 0 : i32
    %dma_wait3A_344 = arith.constant 0 : i32
    %dma_wait3A_345 = tpu.memref_slice %arg5[%dma_wait3A_343, %dma_wait3A_344] : memref<56x1024xf32, #tpu.memory_space<vmem>> -> memref<56x1024xf32, #tpu.memory_space<vmem>>
    %dma_wait3A_346 = arith.constant 0 : i32
    %dma_wait3A_347 = tpu.memref_slice %arg3[%dma_wait3A_342, %add3A_157, %dma_wait3A_346] : memref<4x8192x1024xf32, #tpu.memory_space<hbm>> -> memref<1x56x1024xf32, #tpu.memory_space<hbm>>
    %dma_wait3A_348 = tpu.memref_squeeze %dma_wait3A_347 : memref<1x56x1024xf32, #tpu.memory_space<hbm>> -> memref<56x1024xf32, #tpu.memory_space<hbm>>
    %dma_wait3A_349 = arith.constant 0 : i32
    %dma_wait3A_350 = tpu.memref_slice %arg3[%dma_wait3A_342, %add3A_157, %dma_wait3A_349] : memref<4x8192x1024xf32, #tpu.memory_space<hbm>> -> memref<1x56x1024xf32, #tpu.memory_space<hbm>>
    %dma_wait3A_351 = tpu.memref_squeeze %dma_wait3A_350 : memref<1x56x1024xf32, #tpu.memory_space<hbm>> -> memref<56x1024xf32, #tpu.memory_space<hbm>>
    %dma_wait3A_352 = arith.constant 0 : i32
    %dma_wait3A_353 = arith.constant 0 : i32
    %dma_wait3A_354 = tpu.memref_slice %arg5[%dma_wait3A_352, %dma_wait3A_353] : memref<56x1024xf32, #tpu.memory_space<vmem>> -> memref<56x1024xf32, #tpu.memory_space<vmem>>
    tpu.wait_dma2 semaphore(%arg7 : memref<!tpu.dma_semaphore, #tpu.memory_space<semaphore_mem>>) src(%dma_wait3A_354 : memref<56x1024xf32, #tpu.memory_space<vmem>>) dst(%dma_wait3A_351 : memref<56x1024xf32, #tpu.memory_space<hbm>>)
    %dma_start3A_355 = arith.constant 0 : i32
    %dma_start3A_356 = arith.constant 0 : i32
    %dma_start3A_357 = tpu.memref_slice %arg5[%dma_start3A_355, %dma_start3A_356] : memref<56x1024xf32, #tpu.memory_space<vmem>> -> memref<56x1024xf32, #tpu.memory_space<vmem>>
    %dma_start3A_358 = arith.constant 0 : i32
    %dma_start3A_359 = tpu.memref_slice %arg2[%add3A_10, %dma_start3A_358] : memref<8192x1024xf32, #tpu.memory_space<hbm>> -> memref<56x1024xf32, #tpu.memory_space<hbm>>
    %dma_start3A_360 = arith.constant 0 : i32
    %dma_start3A_361 = arith.constant 0 : i32
    %dma_start3A_362 = tpu.memref_slice %arg5[%dma_start3A_360, %dma_start3A_361] : memref<56x1024xf32, #tpu.memory_space<vmem>> -> memref<56x1024xf32, #tpu.memory_space<vmem>>
    %dma_start3A_363 = arith.constant 0 : i32
    %dma_start3A_364 = tpu.memref_slice %arg2[%add3A_10, %dma_start3A_363] : memref<8192x1024xf32, #tpu.memory_space<hbm>> -> memref<56x1024xf32, #tpu.memory_space<hbm>>
    tpu.enqueue_dma source(%dma_start3A_364 : memref<56x1024xf32, #tpu.memory_space<hbm>>) target(%dma_start3A_362 : memref<56x1024xf32, #tpu.memory_space<vmem>>) target_semaphore(%arg6 : memref<!tpu.dma_semaphore, #tpu.memory_space<semaphore_mem>>)
    %dma_wait3A_365 = arith.constant 0 : i32
    %dma_wait3A_366 = arith.constant 0 : i32
    %dma_wait3A_367 = tpu.memref_slice %arg5[%dma_wait3A_365, %dma_wait3A_366] : memref<56x1024xf32, #tpu.memory_space<vmem>> -> memref<56x1024xf32, #tpu.memory_space<vmem>>
    %dma_wait3A_368 = arith.constant 0 : i32
    %dma_wait3A_369 = tpu.memref_slice %arg2[%add3A_10, %dma_wait3A_368] : memref<8192x1024xf32, #tpu.memory_space<hbm>> -> memref<56x1024xf32, #tpu.memory_space<hbm>>
    %dma_wait3A_370 = arith.constant 0 : i32
    %dma_wait3A_371 = arith.constant 0 : i32
    %dma_wait3A_372 = tpu.memref_slice %arg5[%dma_wait3A_370, %dma_wait3A_371] : memref<56x1024xf32, #tpu.memory_space<vmem>> -> memref<56x1024xf32, #tpu.memory_space<vmem>>
    %dma_wait3A_373 = arith.constant 0 : i32
    %dma_wait3A_374 = tpu.memref_slice %arg2[%add3A_10, %dma_wait3A_373] : memref<8192x1024xf32, #tpu.memory_space<hbm>> -> memref<56x1024xf32, #tpu.memory_space<hbm>>
    tpu.wait_dma2 semaphore(%arg6 : memref<!tpu.dma_semaphore, #tpu.memory_space<semaphore_mem>>) src(%dma_wait3A_374 : memref<56x1024xf32, #tpu.memory_space<hbm>>) dst(%dma_wait3A_372 : memref<56x1024xf32, #tpu.memory_space<vmem>>)
    %add3A_375 = arith.constant 144 : i32
    %add3A_376 = arith.addi %mul3A_2, %add3A_375 : i32
    %dma_start3A_377 = arith.constant 0 : i32
    %dma_start3A_378 = arith.constant 0 : i32
    %dma_start3A_379 = arith.constant 0 : i32
    %dma_start3A_380 = tpu.memref_slice %arg5[%dma_start3A_378, %dma_start3A_379] : memref<56x1024xf32, #tpu.memory_space<vmem>> -> memref<56x1024xf32, #tpu.memory_space<vmem>>
    %dma_start3A_381 = arith.constant 0 : i32
    %dma_start3A_382 = tpu.memref_slice %arg3[%dma_start3A_377, %add3A_376, %dma_start3A_381] : memref<4x8192x1024xf32, #tpu.memory_space<hbm>> -> memref<1x56x1024xf32, #tpu.memory_space<hbm>>
    %dma_start3A_383 = tpu.memref_squeeze %dma_start3A_382 : memref<1x56x1024xf32, #tpu.memory_space<hbm>> -> memref<56x1024xf32, #tpu.memory_space<hbm>>
    %dma_start3A_384 = arith.constant 0 : i32
    %dma_start3A_385 = tpu.memref_slice %arg3[%dma_start3A_377, %add3A_376, %dma_start3A_384] : memref<4x8192x1024xf32, #tpu.memory_space<hbm>> -> memref<1x56x1024xf32, #tpu.memory_space<hbm>>
    %dma_start3A_386 = tpu.memref_squeeze %dma_start3A_385 : memref<1x56x1024xf32, #tpu.memory_space<hbm>> -> memref<56x1024xf32, #tpu.memory_space<hbm>>
    %dma_start3A_387 = arith.constant 0 : i32
    %dma_start3A_388 = arith.constant 0 : i32
    %dma_start3A_389 = tpu.memref_slice %arg5[%dma_start3A_387, %dma_start3A_388] : memref<56x1024xf32, #tpu.memory_space<vmem>> -> memref<56x1024xf32, #tpu.memory_space<vmem>>
    tpu.enqueue_dma source(%dma_start3A_389 : memref<56x1024xf32, #tpu.memory_space<vmem>>) target(%dma_start3A_386 : memref<56x1024xf32, #tpu.memory_space<hbm>>) target_semaphore(%arg7 : memref<!tpu.dma_semaphore, #tpu.memory_space<semaphore_mem>>)
    %add3A_390 = arith.constant 144 : i32
    %add3A_391 = arith.addi %mul3A_2, %add3A_390 : i32
    %dma_start3A_392 = arith.constant 1 : i32
    %dma_start3A_393 = arith.constant 0 : i32
    %dma_start3A_394 = arith.constant 0 : i32
    %dma_start3A_395 = tpu.memref_slice %arg5[%dma_start3A_393, %dma_start3A_394] : memref<56x1024xf32, #tpu.memory_space<vmem>> -> memref<56x1024xf32, #tpu.memory_space<vmem>>
    %dma_start3A_396 = arith.constant 0 : i32
    %dma_start3A_397 = tpu.memref_slice %arg3[%dma_start3A_392, %add3A_391, %dma_start3A_396] : memref<4x8192x1024xf32, #tpu.memory_space<hbm>> -> memref<1x56x1024xf32, #tpu.memory_space<hbm>>
    %dma_start3A_398 = tpu.memref_squeeze %dma_start3A_397 : memref<1x56x1024xf32, #tpu.memory_space<hbm>> -> memref<56x1024xf32, #tpu.memory_space<hbm>>
    %dma_start3A_399 = arith.constant 0 : i32
    %dma_start3A_400 = tpu.memref_slice %arg3[%dma_start3A_392, %add3A_391, %dma_start3A_399] : memref<4x8192x1024xf32, #tpu.memory_space<hbm>> -> memref<1x56x1024xf32, #tpu.memory_space<hbm>>
    %dma_start3A_401 = tpu.memref_squeeze %dma_start3A_400 : memref<1x56x1024xf32, #tpu.memory_space<hbm>> -> memref<56x1024xf32, #tpu.memory_space<hbm>>
    %dma_start3A_402 = arith.constant 0 : i32
    %dma_start3A_403 = arith.constant 0 : i32
    %dma_start3A_404 = tpu.memref_slice %arg5[%dma_start3A_402, %dma_start3A_403] : memref<56x1024xf32, #tpu.memory_space<vmem>> -> memref<56x1024xf32, #tpu.memory_space<vmem>>
    tpu.enqueue_dma source(%dma_start3A_404 : memref<56x1024xf32, #tpu.memory_space<vmem>>) target(%dma_start3A_401 : memref<56x1024xf32, #tpu.memory_space<hbm>>) target_semaphore(%arg7 : memref<!tpu.dma_semaphore, #tpu.memory_space<semaphore_mem>>)
    %add3A_405 = arith.constant 144 : i32
    %add3A_406 = arith.addi %mul3A_2, %add3A_405 : i32
    %dma_start3A_407 = arith.constant 2 : i32
    %dma_start3A_408 = arith.constant 0 : i32
    %dma_start3A_409 = arith.constant 0 : i32
    %dma_start3A_410 = tpu.memref_slice %arg5[%dma_start3A_408, %dma_start3A_409] : memref<56x1024xf32, #tpu.memory_space<vmem>> -> memref<56x1024xf32, #tpu.memory_space<vmem>>
    %dma_start3A_411 = arith.constant 0 : i32
    %dma_start3A_412 = tpu.memref_slice %arg3[%dma_start3A_407, %add3A_406, %dma_start3A_411] : memref<4x8192x1024xf32, #tpu.memory_space<hbm>> -> memref<1x56x1024xf32, #tpu.memory_space<hbm>>
    %dma_start3A_413 = tpu.memref_squeeze %dma_start3A_412 : memref<1x56x1024xf32, #tpu.memory_space<hbm>> -> memref<56x1024xf32, #tpu.memory_space<hbm>>
    %dma_start3A_414 = arith.constant 0 : i32
    %dma_start3A_415 = tpu.memref_slice %arg3[%dma_start3A_407, %add3A_406, %dma_start3A_414] : memref<4x8192x1024xf32, #tpu.memory_space<hbm>> -> memref<1x56x1024xf32, #tpu.memory_space<hbm>>
    %dma_start3A_416 = tpu.memref_squeeze %dma_start3A_415 : memref<1x56x1024xf32, #tpu.memory_space<hbm>> -> memref<56x1024xf32, #tpu.memory_space<hbm>>
    %dma_start3A_417 = arith.constant 0 : i32
    %dma_start3A_418 = arith.constant 0 : i32
    %dma_start3A_419 = tpu.memref_slice %arg5[%dma_start3A_417, %dma_start3A_418] : memref<56x1024xf32, #tpu.memory_space<vmem>> -> memref<56x1024xf32, #tpu.memory_space<vmem>>
    tpu.enqueue_dma source(%dma_start3A_419 : memref<56x1024xf32, #tpu.memory_space<vmem>>) target(%dma_start3A_416 : memref<56x1024xf32, #tpu.memory_space<hbm>>) target_semaphore(%arg7 : memref<!tpu.dma_semaphore, #tpu.memory_space<semaphore_mem>>)
    %add3A_420 = arith.constant 144 : i32
    %add3A_421 = arith.addi %mul3A_2, %add3A_420 : i32
    %dma_start3A_422 = arith.constant 3 : i32
    %dma_start3A_423 = arith.constant 0 : i32
    %dma_start3A_424 = arith.constant 0 : i32
    %dma_start3A_425 = tpu.memref_slice %arg5[%dma_start3A_423, %dma_start3A_424] : memref<56x1024xf32, #tpu.memory_space<vmem>> -> memref<56x1024xf32, #tpu.memory_space<vmem>>
    %dma_start3A_426 = arith.constant 0 : i32
    %dma_start3A_427 = tpu.memref_slice %arg3[%dma_start3A_422, %add3A_421, %dma_start3A_426] : memref<4x8192x1024xf32, #tpu.memory_space<hbm>> -> memref<1x56x1024xf32, #tpu.memory_space<hbm>>
    %dma_start3A_428 = tpu.memref_squeeze %dma_start3A_427 : memref<1x56x1024xf32, #tpu.memory_space<hbm>> -> memref<56x1024xf32, #tpu.memory_space<hbm>>
    %dma_start3A_429 = arith.constant 0 : i32
    %dma_start3A_430 = tpu.memref_slice %arg3[%dma_start3A_422, %add3A_421, %dma_start3A_429] : memref<4x8192x1024xf32, #tpu.memory_space<hbm>> -> memref<1x56x1024xf32, #tpu.memory_space<hbm>>
    %dma_start3A_431 = tpu.memref_squeeze %dma_start3A_430 : memref<1x56x1024xf32, #tpu.memory_space<hbm>> -> memref<56x1024xf32, #tpu.memory_space<hbm>>
    %dma_start3A_432 = arith.constant 0 : i32
    %dma_start3A_433 = arith.constant 0 : i32
    %dma_start3A_434 = tpu.memref_slice %arg5[%dma_start3A_432, %dma_start3A_433] : memref<56x1024xf32, #tpu.memory_space<vmem>> -> memref<56x1024xf32, #tpu.memory_space<vmem>>
    tpu.enqueue_dma source(%dma_start3A_434 : memref<56x1024xf32, #tpu.memory_space<vmem>>) target(%dma_start3A_431 : memref<56x1024xf32, #tpu.memory_space<hbm>>) target_semaphore(%arg7 : memref<!tpu.dma_semaphore, #tpu.memory_space<semaphore_mem>>)
    %dma_wait3A_435 = arith.constant 0 : i32
    %dma_wait3A_436 = arith.constant 0 : i32
    %dma_wait3A_437 = arith.constant 0 : i32
    %dma_wait3A_438 = tpu.memref_slice %arg4[%dma_wait3A_436, %dma_wait3A_437] : memref<56x1024xf32, #tpu.memory_space<vmem>> -> memref<56x1024xf32, #tpu.memory_space<vmem>>
    %dma_wait3A_439 = arith.constant 0 : i32
    %dma_wait3A_440 = tpu.memref_slice %arg3[%dma_wait3A_435, %add3A_244, %dma_wait3A_439] : memref<4x8192x1024xf32, #tpu.memory_space<hbm>> -> memref<1x56x1024xf32, #tpu.memory_space<hbm>>
    %dma_wait3A_441 = tpu.memref_squeeze %dma_wait3A_440 : memref<1x56x1024xf32, #tpu.memory_space<hbm>> -> memref<56x1024xf32, #tpu.memory_space<hbm>>
    %dma_wait3A_442 = arith.constant 0 : i32
    %dma_wait3A_443 = tpu.memref_slice %arg3[%dma_wait3A_435, %add3A_244, %dma_wait3A_442] : memref<4x8192x1024xf32, #tpu.memory_space<hbm>> -> memref<1x56x1024xf32, #tpu.memory_space<hbm>>
    %dma_wait3A_444 = tpu.memref_squeeze %dma_wait3A_443 : memref<1x56x1024xf32, #tpu.memory_space<hbm>> -> memref<56x1024xf32, #tpu.memory_space<hbm>>
    %dma_wait3A_445 = arith.constant 0 : i32
    %dma_wait3A_446 = arith.constant 0 : i32
    %dma_wait3A_447 = tpu.memref_slice %arg4[%dma_wait3A_445, %dma_wait3A_446] : memref<56x1024xf32, #tpu.memory_space<vmem>> -> memref<56x1024xf32, #tpu.memory_space<vmem>>
    tpu.wait_dma2 semaphore(%arg7 : memref<!tpu.dma_semaphore, #tpu.memory_space<semaphore_mem>>) src(%dma_wait3A_447 : memref<56x1024xf32, #tpu.memory_space<vmem>>) dst(%dma_wait3A_444 : memref<56x1024xf32, #tpu.memory_space<hbm>>)
    %dma_wait3A_448 = arith.constant 1 : i32
    %dma_wait3A_449 = arith.constant 0 : i32
    %dma_wait3A_450 = arith.constant 0 : i32
    %dma_wait3A_451 = tpu.memref_slice %arg4[%dma_wait3A_449, %dma_wait3A_450] : memref<56x1024xf32, #tpu.memory_space<vmem>> -> memref<56x1024xf32, #tpu.memory_space<vmem>>
    %dma_wait3A_452 = arith.constant 0 : i32
    %dma_wait3A_453 = tpu.memref_slice %arg3[%dma_wait3A_448, %add3A_259, %dma_wait3A_452] : memref<4x8192x1024xf32, #tpu.memory_space<hbm>> -> memref<1x56x1024xf32, #tpu.memory_space<hbm>>
    %dma_wait3A_454 = tpu.memref_squeeze %dma_wait3A_453 : memref<1x56x1024xf32, #tpu.memory_space<hbm>> -> memref<56x1024xf32, #tpu.memory_space<hbm>>
    %dma_wait3A_455 = arith.constant 0 : i32
    %dma_wait3A_456 = tpu.memref_slice %arg3[%dma_wait3A_448, %add3A_259, %dma_wait3A_455] : memref<4x8192x1024xf32, #tpu.memory_space<hbm>> -> memref<1x56x1024xf32, #tpu.memory_space<hbm>>
    %dma_wait3A_457 = tpu.memref_squeeze %dma_wait3A_456 : memref<1x56x1024xf32, #tpu.memory_space<hbm>> -> memref<56x1024xf32, #tpu.memory_space<hbm>>
    %dma_wait3A_458 = arith.constant 0 : i32
    %dma_wait3A_459 = arith.constant 0 : i32
    %dma_wait3A_460 = tpu.memref_slice %arg4[%dma_wait3A_458, %dma_wait3A_459] : memref<56x1024xf32, #tpu.memory_space<vmem>> -> memref<56x1024xf32, #tpu.memory_space<vmem>>
    tpu.wait_dma2 semaphore(%arg7 : memref<!tpu.dma_semaphore, #tpu.memory_space<semaphore_mem>>) src(%dma_wait3A_460 : memref<56x1024xf32, #tpu.memory_space<vmem>>) dst(%dma_wait3A_457 : memref<56x1024xf32, #tpu.memory_space<hbm>>)
    %dma_wait3A_461 = arith.constant 2 : i32
    %dma_wait3A_462 = arith.constant 0 : i32
    %dma_wait3A_463 = arith.constant 0 : i32
    %dma_wait3A_464 = tpu.memref_slice %arg4[%dma_wait3A_462, %dma_wait3A_463] : memref<56x1024xf32, #tpu.memory_space<vmem>> -> memref<56x1024xf32, #tpu.memory_space<vmem>>
    %dma_wait3A_465 = arith.constant 0 : i32
    %dma_wait3A_466 = tpu.memref_slice %arg3[%dma_wait3A_461, %add3A_274, %dma_wait3A_465] : memref<4x8192x1024xf32, #tpu.memory_space<hbm>> -> memref<1x56x1024xf32, #tpu.memory_space<hbm>>
    %dma_wait3A_467 = tpu.memref_squeeze %dma_wait3A_466 : memref<1x56x1024xf32, #tpu.memory_space<hbm>> -> memref<56x1024xf32, #tpu.memory_space<hbm>>
    %dma_wait3A_468 = arith.constant 0 : i32
    %dma_wait3A_469 = tpu.memref_slice %arg3[%dma_wait3A_461, %add3A_274, %dma_wait3A_468] : memref<4x8192x1024xf32, #tpu.memory_space<hbm>> -> memref<1x56x1024xf32, #tpu.memory_space<hbm>>
    %dma_wait3A_470 = tpu.memref_squeeze %dma_wait3A_469 : memref<1x56x1024xf32, #tpu.memory_space<hbm>> -> memref<56x1024xf32, #tpu.memory_space<hbm>>
    %dma_wait3A_471 = arith.constant 0 : i32
    %dma_wait3A_472 = arith.constant 0 : i32
    %dma_wait3A_473 = tpu.memref_slice %arg4[%dma_wait3A_471, %dma_wait3A_472] : memref<56x1024xf32, #tpu.memory_space<vmem>> -> memref<56x1024xf32, #tpu.memory_space<vmem>>
    tpu.wait_dma2 semaphore(%arg7 : memref<!tpu.dma_semaphore, #tpu.memory_space<semaphore_mem>>) src(%dma_wait3A_473 : memref<56x1024xf32, #tpu.memory_space<vmem>>) dst(%dma_wait3A_470 : memref<56x1024xf32, #tpu.memory_space<hbm>>)
    %dma_wait3A_474 = arith.constant 3 : i32
    %dma_wait3A_475 = arith.constant 0 : i32
    %dma_wait3A_476 = arith.constant 0 : i32
    %dma_wait3A_477 = tpu.memref_slice %arg4[%dma_wait3A_475, %dma_wait3A_476] : memref<56x1024xf32, #tpu.memory_space<vmem>> -> memref<56x1024xf32, #tpu.memory_space<vmem>>
    %dma_wait3A_478 = arith.constant 0 : i32
    %dma_wait3A_479 = tpu.memref_slice %arg3[%dma_wait3A_474, %add3A_289, %dma_wait3A_478] : memref<4x8192x1024xf32, #tpu.memory_space<hbm>> -> memref<1x56x1024xf32, #tpu.memory_space<hbm>>
    %dma_wait3A_480 = tpu.memref_squeeze %dma_wait3A_479 : memref<1x56x1024xf32, #tpu.memory_space<hbm>> -> memref<56x1024xf32, #tpu.memory_space<hbm>>
    %dma_wait3A_481 = arith.constant 0 : i32
    %dma_wait3A_482 = tpu.memref_slice %arg3[%dma_wait3A_474, %add3A_289, %dma_wait3A_481] : memref<4x8192x1024xf32, #tpu.memory_space<hbm>> -> memref<1x56x1024xf32, #tpu.memory_space<hbm>>
    %dma_wait3A_483 = tpu.memref_squeeze %dma_wait3A_482 : memref<1x56x1024xf32, #tpu.memory_space<hbm>> -> memref<56x1024xf32, #tpu.memory_space<hbm>>
    %dma_wait3A_484 = arith.constant 0 : i32
    %dma_wait3A_485 = arith.constant 0 : i32
    %dma_wait3A_486 = tpu.memref_slice %arg4[%dma_wait3A_484, %dma_wait3A_485] : memref<56x1024xf32, #tpu.memory_space<vmem>> -> memref<56x1024xf32, #tpu.memory_space<vmem>>
    tpu.wait_dma2 semaphore(%arg7 : memref<!tpu.dma_semaphore, #tpu.memory_space<semaphore_mem>>) src(%dma_wait3A_486 : memref<56x1024xf32, #tpu.memory_space<vmem>>) dst(%dma_wait3A_483 : memref<56x1024xf32, #tpu.memory_space<hbm>>)
    %dma_start3A_487 = arith.constant 0 : i32
    %dma_start3A_488 = arith.constant 0 : i32
    %dma_start3A_489 = tpu.memref_slice %arg4[%dma_start3A_487, %dma_start3A_488] : memref<56x1024xf32, #tpu.memory_space<vmem>> -> memref<56x1024xf32, #tpu.memory_space<vmem>>
    %dma_start3A_490 = arith.constant 0 : i32
    %dma_start3A_491 = tpu.memref_slice %arg2[%add3A_12, %dma_start3A_490] : memref<8192x1024xf32, #tpu.memory_space<hbm>> -> memref<56x1024xf32, #tpu.memory_space<hbm>>
    %dma_start3A_492 = arith.constant 0 : i32
    %dma_start3A_493 = arith.constant 0 : i32
    %dma_start3A_494 = tpu.memref_slice %arg4[%dma_start3A_492, %dma_start3A_493] : memref<56x1024xf32, #tpu.memory_space<vmem>> -> memref<56x1024xf32, #tpu.memory_space<vmem>>
    %dma_start3A_495 = arith.constant 0 : i32
    %dma_start3A_496 = tpu.memref_slice %arg2[%add3A_12, %dma_start3A_495] : memref<8192x1024xf32, #tpu.memory_space<hbm>> -> memref<56x1024xf32, #tpu.memory_space<hbm>>
    tpu.enqueue_dma source(%dma_start3A_496 : memref<56x1024xf32, #tpu.memory_space<hbm>>) target(%dma_start3A_494 : memref<56x1024xf32, #tpu.memory_space<vmem>>) target_semaphore(%arg6 : memref<!tpu.dma_semaphore, #tpu.memory_space<semaphore_mem>>)
    %dma_wait3A_497 = arith.constant 0 : i32
    %dma_wait3A_498 = arith.constant 0 : i32
    %dma_wait3A_499 = tpu.memref_slice %arg4[%dma_wait3A_497, %dma_wait3A_498] : memref<56x1024xf32, #tpu.memory_space<vmem>> -> memref<56x1024xf32, #tpu.memory_space<vmem>>
    %dma_wait3A_500 = arith.constant 0 : i32
    %dma_wait3A_501 = tpu.memref_slice %arg2[%add3A_12, %dma_wait3A_500] : memref<8192x1024xf32, #tpu.memory_space<hbm>> -> memref<56x1024xf32, #tpu.memory_space<hbm>>
    %dma_wait3A_502 = arith.constant 0 : i32
    %dma_wait3A_503 = arith.constant 0 : i32
    %dma_wait3A_504 = tpu.memref_slice %arg4[%dma_wait3A_502, %dma_wait3A_503] : memref<56x1024xf32, #tpu.memory_space<vmem>> -> memref<56x1024xf32, #tpu.memory_space<vmem>>
    %dma_wait3A_505 = arith.constant 0 : i32
    %dma_wait3A_506 = tpu.memref_slice %arg2[%add3A_12, %dma_wait3A_505] : memref<8192x1024xf32, #tpu.memory_space<hbm>> -> memref<56x1024xf32, #tpu.memory_space<hbm>>
    tpu.wait_dma2 semaphore(%arg6 : memref<!tpu.dma_semaphore, #tpu.memory_space<semaphore_mem>>) src(%dma_wait3A_506 : memref<56x1024xf32, #tpu.memory_space<hbm>>) dst(%dma_wait3A_504 : memref<56x1024xf32, #tpu.memory_space<vmem>>)
    %add3A_507 = arith.constant 200 : i32
    %add3A_508 = arith.addi %mul3A_2, %add3A_507 : i32
    %dma_start3A_509 = arith.constant 0 : i32
    %dma_start3A_510 = arith.constant 0 : i32
    %dma_start3A_511 = arith.constant 0 : i32
    %dma_start3A_512 = tpu.memref_slice %arg4[%dma_start3A_510, %dma_start3A_511] : memref<56x1024xf32, #tpu.memory_space<vmem>> -> memref<56x1024xf32, #tpu.memory_space<vmem>>
    %dma_start3A_513 = arith.constant 0 : i32
    %dma_start3A_514 = tpu.memref_slice %arg3[%dma_start3A_509, %add3A_508, %dma_start3A_513] : memref<4x8192x1024xf32, #tpu.memory_space<hbm>> -> memref<1x56x1024xf32, #tpu.memory_space<hbm>>
    %dma_start3A_515 = tpu.memref_squeeze %dma_start3A_514 : memref<1x56x1024xf32, #tpu.memory_space<hbm>> -> memref<56x1024xf32, #tpu.memory_space<hbm>>
    %dma_start3A_516 = arith.constant 0 : i32
    %dma_start3A_517 = tpu.memref_slice %arg3[%dma_start3A_509, %add3A_508, %dma_start3A_516] : memref<4x8192x1024xf32, #tpu.memory_space<hbm>> -> memref<1x56x1024xf32, #tpu.memory_space<hbm>>
    %dma_start3A_518 = tpu.memref_squeeze %dma_start3A_517 : memref<1x56x1024xf32, #tpu.memory_space<hbm>> -> memref<56x1024xf32, #tpu.memory_space<hbm>>
    %dma_start3A_519 = arith.constant 0 : i32
    %dma_start3A_520 = arith.constant 0 : i32
    %dma_start3A_521 = tpu.memref_slice %arg4[%dma_start3A_519, %dma_start3A_520] : memref<56x1024xf32, #tpu.memory_space<vmem>> -> memref<56x1024xf32, #tpu.memory_space<vmem>>
    tpu.enqueue_dma source(%dma_start3A_521 : memref<56x1024xf32, #tpu.memory_space<vmem>>) target(%dma_start3A_518 : memref<56x1024xf32, #tpu.memory_space<hbm>>) target_semaphore(%arg7 : memref<!tpu.dma_semaphore, #tpu.memory_space<semaphore_mem>>)
    %add3A_522 = arith.constant 200 : i32
    %add3A_523 = arith.addi %mul3A_2, %add3A_522 : i32
    %dma_start3A_524 = arith.constant 1 : i32
    %dma_start3A_525 = arith.constant 0 : i32
    %dma_start3A_526 = arith.constant 0 : i32
    %dma_start3A_527 = tpu.memref_slice %arg4[%dma_start3A_525, %dma_start3A_526] : memref<56x1024xf32, #tpu.memory_space<vmem>> -> memref<56x1024xf32, #tpu.memory_space<vmem>>
    %dma_start3A_528 = arith.constant 0 : i32
    %dma_start3A_529 = tpu.memref_slice %arg3[%dma_start3A_524, %add3A_523, %dma_start3A_528] : memref<4x8192x1024xf32, #tpu.memory_space<hbm>> -> memref<1x56x1024xf32, #tpu.memory_space<hbm>>
    %dma_start3A_530 = tpu.memref_squeeze %dma_start3A_529 : memref<1x56x1024xf32, #tpu.memory_space<hbm>> -> memref<56x1024xf32, #tpu.memory_space<hbm>>
    %dma_start3A_531 = arith.constant 0 : i32
    %dma_start3A_532 = tpu.memref_slice %arg3[%dma_start3A_524, %add3A_523, %dma_start3A_531] : memref<4x8192x1024xf32, #tpu.memory_space<hbm>> -> memref<1x56x1024xf32, #tpu.memory_space<hbm>>
    %dma_start3A_533 = tpu.memref_squeeze %dma_start3A_532 : memref<1x56x1024xf32, #tpu.memory_space<hbm>> -> memref<56x1024xf32, #tpu.memory_space<hbm>>
    %dma_start3A_534 = arith.constant 0 : i32
    %dma_start3A_535 = arith.constant 0 : i32
    %dma_start3A_536 = tpu.memref_slice %arg4[%dma_start3A_534, %dma_start3A_535] : memref<56x1024xf32, #tpu.memory_space<vmem>> -> memref<56x1024xf32, #tpu.memory_space<vmem>>
    tpu.enqueue_dma source(%dma_start3A_536 : memref<56x1024xf32, #tpu.memory_space<vmem>>) target(%dma_start3A_533 : memref<56x1024xf32, #tpu.memory_space<hbm>>) target_semaphore(%arg7 : memref<!tpu.dma_semaphore, #tpu.memory_space<semaphore_mem>>)
    %add3A_537 = arith.constant 200 : i32
    %add3A_538 = arith.addi %mul3A_2, %add3A_537 : i32
    %dma_start3A_539 = arith.constant 2 : i32
    %dma_start3A_540 = arith.constant 0 : i32
    %dma_start3A_541 = arith.constant 0 : i32
    %dma_start3A_542 = tpu.memref_slice %arg4[%dma_start3A_540, %dma_start3A_541] : memref<56x1024xf32, #tpu.memory_space<vmem>> -> memref<56x1024xf32, #tpu.memory_space<vmem>>
    %dma_start3A_543 = arith.constant 0 : i32
    %dma_start3A_544 = tpu.memref_slice %arg3[%dma_start3A_539, %add3A_538, %dma_start3A_543] : memref<4x8192x1024xf32, #tpu.memory_space<hbm>> -> memref<1x56x1024xf32, #tpu.memory_space<hbm>>
    %dma_start3A_545 = tpu.memref_squeeze %dma_start3A_544 : memref<1x56x1024xf32, #tpu.memory_space<hbm>> -> memref<56x1024xf32, #tpu.memory_space<hbm>>
    %dma_start3A_546 = arith.constant 0 : i32
    %dma_start3A_547 = tpu.memref_slice %arg3[%dma_start3A_539, %add3A_538, %dma_start3A_546] : memref<4x8192x1024xf32, #tpu.memory_space<hbm>> -> memref<1x56x1024xf32, #tpu.memory_space<hbm>>
    %dma_start3A_548 = tpu.memref_squeeze %dma_start3A_547 : memref<1x56x1024xf32, #tpu.memory_space<hbm>> -> memref<56x1024xf32, #tpu.memory_space<hbm>>
    %dma_start3A_549 = arith.constant 0 : i32
    %dma_start3A_550 = arith.constant 0 : i32
    %dma_start3A_551 = tpu.memref_slice %arg4[%dma_start3A_549, %dma_start3A_550] : memref<56x1024xf32, #tpu.memory_space<vmem>> -> memref<56x1024xf32, #tpu.memory_space<vmem>>
    tpu.enqueue_dma source(%dma_start3A_551 : memref<56x1024xf32, #tpu.memory_space<vmem>>) target(%dma_start3A_548 : memref<56x1024xf32, #tpu.memory_space<hbm>>) target_semaphore(%arg7 : memref<!tpu.dma_semaphore, #tpu.memory_space<semaphore_mem>>)
    %add3A_552 = arith.constant 200 : i32
    %add3A_553 = arith.addi %mul3A_2, %add3A_552 : i32
    %dma_start3A_554 = arith.constant 3 : i32
    %dma_start3A_555 = arith.constant 0 : i32
    %dma_start3A_556 = arith.constant 0 : i32
    %dma_start3A_557 = tpu.memref_slice %arg4[%dma_start3A_555, %dma_start3A_556] : memref<56x1024xf32, #tpu.memory_space<vmem>> -> memref<56x1024xf32, #tpu.memory_space<vmem>>
    %dma_start3A_558 = arith.constant 0 : i32
    %dma_start3A_559 = tpu.memref_slice %arg3[%dma_start3A_554, %add3A_553, %dma_start3A_558] : memref<4x8192x1024xf32, #tpu.memory_space<hbm>> -> memref<1x56x1024xf32, #tpu.memory_space<hbm>>
    %dma_start3A_560 = tpu.memref_squeeze %dma_start3A_559 : memref<1x56x1024xf32, #tpu.memory_space<hbm>> -> memref<56x1024xf32, #tpu.memory_space<hbm>>
    %dma_start3A_561 = arith.constant 0 : i32
    %dma_start3A_562 = tpu.memref_slice %arg3[%dma_start3A_554, %add3A_553, %dma_start3A_561] : memref<4x8192x1024xf32, #tpu.memory_space<hbm>> -> memref<1x56x1024xf32, #tpu.memory_space<hbm>>
    %dma_start3A_563 = tpu.memref_squeeze %dma_start3A_562 : memref<1x56x1024xf32, #tpu.memory_space<hbm>> -> memref<56x1024xf32, #tpu.memory_space<hbm>>
    %dma_start3A_564 = arith.constant 0 : i32
    %dma_start3A_565 = arith.constant 0 : i32
    %dma_start3A_566 = tpu.memref_slice %arg4[%dma_start3A_564, %dma_start3A_565] : memref<56x1024xf32, #tpu.memory_space<vmem>> -> memref<56x1024xf32, #tpu.memory_space<vmem>>
    tpu.enqueue_dma source(%dma_start3A_566 : memref<56x1024xf32, #tpu.memory_space<vmem>>) target(%dma_start3A_563 : memref<56x1024xf32, #tpu.memory_space<hbm>>) target_semaphore(%arg7 : memref<!tpu.dma_semaphore, #tpu.memory_space<semaphore_mem>>)
    %dma_wait3A_567 = arith.constant 0 : i32
    %dma_wait3A_568 = arith.constant 0 : i32
    %dma_wait3A_569 = arith.constant 0 : i32
    %dma_wait3A_570 = tpu.memref_slice %arg5[%dma_wait3A_568, %dma_wait3A_569] : memref<56x1024xf32, #tpu.memory_space<vmem>> -> memref<56x1024xf32, #tpu.memory_space<vmem>>
    %dma_wait3A_571 = arith.constant 0 : i32
    %dma_wait3A_572 = tpu.memref_slice %arg3[%dma_wait3A_567, %add3A_376, %dma_wait3A_571] : memref<4x8192x1024xf32, #tpu.memory_space<hbm>> -> memref<1x56x1024xf32, #tpu.memory_space<hbm>>
    %dma_wait3A_573 = tpu.memref_squeeze %dma_wait3A_572 : memref<1x56x1024xf32, #tpu.memory_space<hbm>> -> memref<56x1024xf32, #tpu.memory_space<hbm>>
    %dma_wait3A_574 = arith.constant 0 : i32
    %dma_wait3A_575 = tpu.memref_slice %arg3[%dma_wait3A_567, %add3A_376, %dma_wait3A_574] : memref<4x8192x1024xf32, #tpu.memory_space<hbm>> -> memref<1x56x1024xf32, #tpu.memory_space<hbm>>
    %dma_wait3A_576 = tpu.memref_squeeze %dma_wait3A_575 : memref<1x56x1024xf32, #tpu.memory_space<hbm>> -> memref<56x1024xf32, #tpu.memory_space<hbm>>
    %dma_wait3A_577 = arith.constant 0 : i32
    %dma_wait3A_578 = arith.constant 0 : i32
    %dma_wait3A_579 = tpu.memref_slice %arg5[%dma_wait3A_577, %dma_wait3A_578] : memref<56x1024xf32, #tpu.memory_space<vmem>> -> memref<56x1024xf32, #tpu.memory_space<vmem>>
    tpu.wait_dma2 semaphore(%arg7 : memref<!tpu.dma_semaphore, #tpu.memory_space<semaphore_mem>>) src(%dma_wait3A_579 : memref<56x1024xf32, #tpu.memory_space<vmem>>) dst(%dma_wait3A_576 : memref<56x1024xf32, #tpu.memory_space<hbm>>)
    %dma_wait3A_580 = arith.constant 1 : i32
    %dma_wait3A_581 = arith.constant 0 : i32
    %dma_wait3A_582 = arith.constant 0 : i32
    %dma_wait3A_583 = tpu.memref_slice %arg5[%dma_wait3A_581, %dma_wait3A_582] : memref<56x1024xf32, #tpu.memory_space<vmem>> -> memref<56x1024xf32, #tpu.memory_space<vmem>>
    %dma_wait3A_584 = arith.constant 0 : i32
    %dma_wait3A_585 = tpu.memref_slice %arg3[%dma_wait3A_580, %add3A_391, %dma_wait3A_584] : memref<4x8192x1024xf32, #tpu.memory_space<hbm>> -> memref<1x56x1024xf32, #tpu.memory_space<hbm>>
    %dma_wait3A_586 = tpu.memref_squeeze %dma_wait3A_585 : memref<1x56x1024xf32, #tpu.memory_space<hbm>> -> memref<56x1024xf32, #tpu.memory_space<hbm>>
    %dma_wait3A_587 = arith.constant 0 : i32
    %dma_wait3A_588 = tpu.memref_slice %arg3[%dma_wait3A_580, %add3A_391, %dma_wait3A_587] : memref<4x8192x1024xf32, #tpu.memory_space<hbm>> -> memref<1x56x1024xf32, #tpu.memory_space<hbm>>
    %dma_wait3A_589 = tpu.memref_squeeze %dma_wait3A_588 : memref<1x56x1024xf32, #tpu.memory_space<hbm>> -> memref<56x1024xf32, #tpu.memory_space<hbm>>
    %dma_wait3A_590 = arith.constant 0 : i32
    %dma_wait3A_591 = arith.constant 0 : i32
    %dma_wait3A_592 = tpu.memref_slice %arg5[%dma_wait3A_590, %dma_wait3A_591] : memref<56x1024xf32, #tpu.memory_space<vmem>> -> memref<56x1024xf32, #tpu.memory_space<vmem>>
    tpu.wait_dma2 semaphore(%arg7 : memref<!tpu.dma_semaphore, #tpu.memory_space<semaphore_mem>>) src(%dma_wait3A_592 : memref<56x1024xf32, #tpu.memory_space<vmem>>) dst(%dma_wait3A_589 : memref<56x1024xf32, #tpu.memory_space<hbm>>)
    %dma_wait3A_593 = arith.constant 2 : i32
    %dma_wait3A_594 = arith.constant 0 : i32
    %dma_wait3A_595 = arith.constant 0 : i32
    %dma_wait3A_596 = tpu.memref_slice %arg5[%dma_wait3A_594, %dma_wait3A_595] : memref<56x1024xf32, #tpu.memory_space<vmem>> -> memref<56x1024xf32, #tpu.memory_space<vmem>>
    %dma_wait3A_597 = arith.constant 0 : i32
    %dma_wait3A_598 = tpu.memref_slice %arg3[%dma_wait3A_593, %add3A_406, %dma_wait3A_597] : memref<4x8192x1024xf32, #tpu.memory_space<hbm>> -> memref<1x56x1024xf32, #tpu.memory_space<hbm>>
    %dma_wait3A_599 = tpu.memref_squeeze %dma_wait3A_598 : memref<1x56x1024xf32, #tpu.memory_space<hbm>> -> memref<56x1024xf32, #tpu.memory_space<hbm>>
    %dma_wait3A_600 = arith.constant 0 : i32
    %dma_wait3A_601 = tpu.memref_slice %arg3[%dma_wait3A_593, %add3A_406, %dma_wait3A_600] : memref<4x8192x1024xf32, #tpu.memory_space<hbm>> -> memref<1x56x1024xf32, #tpu.memory_space<hbm>>
    %dma_wait3A_602 = tpu.memref_squeeze %dma_wait3A_601 : memref<1x56x1024xf32, #tpu.memory_space<hbm>> -> memref<56x1024xf32, #tpu.memory_space<hbm>>
    %dma_wait3A_603 = arith.constant 0 : i32
    %dma_wait3A_604 = arith.constant 0 : i32
    %dma_wait3A_605 = tpu.memref_slice %arg5[%dma_wait3A_603, %dma_wait3A_604] : memref<56x1024xf32, #tpu.memory_space<vmem>> -> memref<56x1024xf32, #tpu.memory_space<vmem>>
    tpu.wait_dma2 semaphore(%arg7 : memref<!tpu.dma_semaphore, #tpu.memory_space<semaphore_mem>>) src(%dma_wait3A_605 : memref<56x1024xf32, #tpu.memory_space<vmem>>) dst(%dma_wait3A_602 : memref<56x1024xf32, #tpu.memory_space<hbm>>)
    %dma_wait3A_606 = arith.constant 3 : i32
    %dma_wait3A_607 = arith.constant 0 : i32
    %dma_wait3A_608 = arith.constant 0 : i32
    %dma_wait3A_609 = tpu.memref_slice %arg5[%dma_wait3A_607, %dma_wait3A_608] : memref<56x1024xf32, #tpu.memory_space<vmem>> -> memref<56x1024xf32, #tpu.memory_space<vmem>>
    %dma_wait3A_610 = arith.constant 0 : i32
    %dma_wait3A_611 = tpu.memref_slice %arg3[%dma_wait3A_606, %add3A_421, %dma_wait3A_610] : memref<4x8192x1024xf32, #tpu.memory_space<hbm>> -> memref<1x56x1024xf32, #tpu.memory_space<hbm>>
    %dma_wait3A_612 = tpu.memref_squeeze %dma_wait3A_611 : memref<1x56x1024xf32, #tpu.memory_space<hbm>> -> memref<56x1024xf32, #tpu.memory_space<hbm>>
    %dma_wait3A_613 = arith.constant 0 : i32
    %dma_wait3A_614 = tpu.memref_slice %arg3[%dma_wait3A_606, %add3A_421, %dma_wait3A_613] : memref<4x8192x1024xf32, #tpu.memory_space<hbm>> -> memref<1x56x1024xf32, #tpu.memory_space<hbm>>
    %dma_wait3A_615 = tpu.memref_squeeze %dma_wait3A_614 : memref<1x56x1024xf32, #tpu.memory_space<hbm>> -> memref<56x1024xf32, #tpu.memory_space<hbm>>
    %dma_wait3A_616 = arith.constant 0 : i32
    %dma_wait3A_617 = arith.constant 0 : i32
    %dma_wait3A_618 = tpu.memref_slice %arg5[%dma_wait3A_616, %dma_wait3A_617] : memref<56x1024xf32, #tpu.memory_space<vmem>> -> memref<56x1024xf32, #tpu.memory_space<vmem>>
    tpu.wait_dma2 semaphore(%arg7 : memref<!tpu.dma_semaphore, #tpu.memory_space<semaphore_mem>>) src(%dma_wait3A_618 : memref<56x1024xf32, #tpu.memory_space<vmem>>) dst(%dma_wait3A_615 : memref<56x1024xf32, #tpu.memory_space<hbm>>)
    %dma_wait3A_619 = arith.constant 0 : i32
    %dma_wait3A_620 = arith.constant 0 : i32
    %dma_wait3A_621 = arith.constant 0 : i32
    %dma_wait3A_622 = tpu.memref_slice %arg4[%dma_wait3A_620, %dma_wait3A_621] : memref<56x1024xf32, #tpu.memory_space<vmem>> -> memref<56x1024xf32, #tpu.memory_space<vmem>>
    %dma_wait3A_623 = arith.constant 0 : i32
    %dma_wait3A_624 = tpu.memref_slice %arg3[%dma_wait3A_619, %add3A_508, %dma_wait3A_623] : memref<4x8192x1024xf32, #tpu.memory_space<hbm>> -> memref<1x56x1024xf32, #tpu.memory_space<hbm>>
    %dma_wait3A_625 = tpu.memref_squeeze %dma_wait3A_624 : memref<1x56x1024xf32, #tpu.memory_space<hbm>> -> memref<56x1024xf32, #tpu.memory_space<hbm>>
    %dma_wait3A_626 = arith.constant 0 : i32
    %dma_wait3A_627 = tpu.memref_slice %arg3[%dma_wait3A_619, %add3A_508, %dma_wait3A_626] : memref<4x8192x1024xf32, #tpu.memory_space<hbm>> -> memref<1x56x1024xf32, #tpu.memory_space<hbm>>
    %dma_wait3A_628 = tpu.memref_squeeze %dma_wait3A_627 : memref<1x56x1024xf32, #tpu.memory_space<hbm>> -> memref<56x1024xf32, #tpu.memory_space<hbm>>
    %dma_wait3A_629 = arith.constant 0 : i32
    %dma_wait3A_630 = arith.constant 0 : i32
    %dma_wait3A_631 = tpu.memref_slice %arg4[%dma_wait3A_629, %dma_wait3A_630] : memref<56x1024xf32, #tpu.memory_space<vmem>> -> memref<56x1024xf32, #tpu.memory_space<vmem>>
    tpu.wait_dma2 semaphore(%arg7 : memref<!tpu.dma_semaphore, #tpu.memory_space<semaphore_mem>>) src(%dma_wait3A_631 : memref<56x1024xf32, #tpu.memory_space<vmem>>) dst(%dma_wait3A_628 : memref<56x1024xf32, #tpu.memory_space<hbm>>)
    %dma_wait3A_632 = arith.constant 1 : i32
    %dma_wait3A_633 = arith.constant 0 : i32
    %dma_wait3A_634 = arith.constant 0 : i32
    %dma_wait3A_635 = tpu.memref_slice %arg4[%dma_wait3A_633, %dma_wait3A_634] : memref<56x1024xf32, #tpu.memory_space<vmem>> -> memref<56x1024xf32, #tpu.memory_space<vmem>>
    %dma_wait3A_636 = arith.constant 0 : i32
    %dma_wait3A_637 = tpu.memref_slice %arg3[%dma_wait3A_632, %add3A_523, %dma_wait3A_636] : memref<4x8192x1024xf32, #tpu.memory_space<hbm>> -> memref<1x56x1024xf32, #tpu.memory_space<hbm>>
    %dma_wait3A_638 = tpu.memref_squeeze %dma_wait3A_637 : memref<1x56x1024xf32, #tpu.memory_space<hbm>> -> memref<56x1024xf32, #tpu.memory_space<hbm>>
    %dma_wait3A_639 = arith.constant 0 : i32
    %dma_wait3A_640 = tpu.memref_slice %arg3[%dma_wait3A_632, %add3A_523, %dma_wait3A_639] : memref<4x8192x1024xf32, #tpu.memory_space<hbm>> -> memref<1x56x1024xf32, #tpu.memory_space<hbm>>
    %dma_wait3A_641 = tpu.memref_squeeze %dma_wait3A_640 : memref<1x56x1024xf32, #tpu.memory_space<hbm>> -> memref<56x1024xf32, #tpu.memory_space<hbm>>
    %dma_wait3A_642 = arith.constant 0 : i32
    %dma_wait3A_643 = arith.constant 0 : i32
    %dma_wait3A_644 = tpu.memref_slice %arg4[%dma_wait3A_642, %dma_wait3A_643] : memref<56x1024xf32, #tpu.memory_space<vmem>> -> memref<56x1024xf32, #tpu.memory_space<vmem>>
    tpu.wait_dma2 semaphore(%arg7 : memref<!tpu.dma_semaphore, #tpu.memory_space<semaphore_mem>>) src(%dma_wait3A_644 : memref<56x1024xf32, #tpu.memory_space<vmem>>) dst(%dma_wait3A_641 : memref<56x1024xf32, #tpu.memory_space<hbm>>)
    %dma_wait3A_645 = arith.constant 2 : i32
    %dma_wait3A_646 = arith.constant 0 : i32
    %dma_wait3A_647 = arith.constant 0 : i32
    %dma_wait3A_648 = tpu.memref_slice %arg4[%dma_wait3A_646, %dma_wait3A_647] : memref<56x1024xf32, #tpu.memory_space<vmem>> -> memref<56x1024xf32, #tpu.memory_space<vmem>>
    %dma_wait3A_649 = arith.constant 0 : i32
    %dma_wait3A_650 = tpu.memref_slice %arg3[%dma_wait3A_645, %add3A_538, %dma_wait3A_649] : memref<4x8192x1024xf32, #tpu.memory_space<hbm>> -> memref<1x56x1024xf32, #tpu.memory_space<hbm>>
    %dma_wait3A_651 = tpu.memref_squeeze %dma_wait3A_650 : memref<1x56x1024xf32, #tpu.memory_space<hbm>> -> memref<56x1024xf32, #tpu.memory_space<hbm>>
    %dma_wait3A_652 = arith.constant 0 : i32
    %dma_wait3A_653 = tpu.memref_slice %arg3[%dma_wait3A_645, %add3A_538, %dma_wait3A_652] : memref<4x8192x1024xf32, #tpu.memory_space<hbm>> -> memref<1x56x1024xf32, #tpu.memory_space<hbm>>
    %dma_wait3A_654 = tpu.memref_squeeze %dma_wait3A_653 : memref<1x56x1024xf32, #tpu.memory_space<hbm>> -> memref<56x1024xf32, #tpu.memory_space<hbm>>
    %dma_wait3A_655 = arith.constant 0 : i32
    %dma_wait3A_656 = arith.constant 0 : i32
    %dma_wait3A_657 = tpu.memref_slice %arg4[%dma_wait3A_655, %dma_wait3A_656] : memref<56x1024xf32, #tpu.memory_space<vmem>> -> memref<56x1024xf32, #tpu.memory_space<vmem>>
    tpu.wait_dma2 semaphore(%arg7 : memref<!tpu.dma_semaphore, #tpu.memory_space<semaphore_mem>>) src(%dma_wait3A_657 : memref<56x1024xf32, #tpu.memory_space<vmem>>) dst(%dma_wait3A_654 : memref<56x1024xf32, #tpu.memory_space<hbm>>)
    %dma_wait3A_658 = arith.constant 3 : i32
    %dma_wait3A_659 = arith.constant 0 : i32
    %dma_wait3A_660 = arith.constant 0 : i32
    %dma_wait3A_661 = tpu.memref_slice %arg4[%dma_wait3A_659, %dma_wait3A_660] : memref<56x1024xf32, #tpu.memory_space<vmem>> -> memref<56x1024xf32, #tpu.memory_space<vmem>>
    %dma_wait3A_662 = arith.constant 0 : i32
    %dma_wait3A_663 = tpu.memref_slice %arg3[%dma_wait3A_658, %add3A_553, %dma_wait3A_662] : memref<4x8192x1024xf32, #tpu.memory_space<hbm>> -> memref<1x56x1024xf32, #tpu.memory_space<hbm>>
    %dma_wait3A_664 = tpu.memref_squeeze %dma_wait3A_663 : memref<1x56x1024xf32, #tpu.memory_space<hbm>> -> memref<56x1024xf32, #tpu.memory_space<hbm>>
    %dma_wait3A_665 = arith.constant 0 : i32
    %dma_wait3A_666 = tpu.memref_slice %arg3[%dma_wait3A_658, %add3A_553, %dma_wait3A_665] : memref<4x8192x1024xf32, #tpu.memory_space<hbm>> -> memref<1x56x1024xf32, #tpu.memory_space<hbm>>
    %dma_wait3A_667 = tpu.memref_squeeze %dma_wait3A_666 : memref<1x56x1024xf32, #tpu.memory_space<hbm>> -> memref<56x1024xf32, #tpu.memory_space<hbm>>
    %dma_wait3A_668 = arith.constant 0 : i32
    %dma_wait3A_669 = arith.constant 0 : i32
    %dma_wait3A_670 = tpu.memref_slice %arg4[%dma_wait3A_668, %dma_wait3A_669] : memref<56x1024xf32, #tpu.memory_space<vmem>> -> memref<56x1024xf32, #tpu.memory_space<vmem>>
    tpu.wait_dma2 semaphore(%arg7 : memref<!tpu.dma_semaphore, #tpu.memory_space<semaphore_mem>>) src(%dma_wait3A_670 : memref<56x1024xf32, #tpu.memory_space<vmem>>) dst(%dma_wait3A_667 : memref<56x1024xf32, #tpu.memory_space<hbm>>)
    return
  }
}

</mosaic_0001>

<sc_bundles>
// kernel: _broadcast_table.3.cloned.1.call-start
scs
__scs_entry_jumppad:
0x0: {  	(pc) =	sbr.rel $0x88, $3  }
0x1: {  	(tag) =	ssettag $0x0;
	lr =	simm.s32 $0x1  }
0x2: {  	[smem:$0x3FA0] =	sst lr;
	_ =	strace $0xD0000000  }
0x3: {  	_ = 	snop  }
0x4: {  	_ = 	snop  }
0x5: {  	_ = 	snop  }
0x6: {  	_ = 	snop  }
0x7: {  	_ = 	snop  }
__scs_overlays_trampoline_lowered:
0x8: {  	[smem:$0x3FAF] =	sst s0  }
0x9: {  	[smem:$0x3FB0] =	sst s1  }
0xa: {  	[smem:$0x3FB1] =	sst s2  }
0xb: {  	[smem:$0x3FB2] =	sst s3  }
0xc: {  	[smem:$0x3FB3] =	sst s4  }
0xd: {  	[smem:$0x3FB4] =	sst s5  }
0xe: {  	[smem:$0x3FB5] =	sst s6  }
0xf: {  	[smem:$0x3FB6] =	sst s7  }
0x10: {  	[smem:$0x3FB7] =	sst s8  }
0x11: {  	[smem:$0x3FB8] =	sst s9;
	s0 =	simm.s32 @!p0 $0x0  }
0x12: {  	s1 =	sld [smem:$0x3F9E];
	s0 =	simm.s32 @p0 $0x1  }
0x13: {  	[smem:$0x3FB9] =	sst s0;
	s0 =	simm.s32 @!p1 $0x0  }
0x14: {  	s2 =	sld [smem:$0x3F9D];
	s0 =	simm.s32 @p1 $0x1  }
0x15: {  	[smem:$0x3FBA] =	sst s0;
	s0 =	simm.s32 @!p2 $0x0  }
0x16: {  	s3 =	sld [smem:$0x3FDB];
	s0 =	simm.s32 @p2 $0x1  }
0x17: {  	s4 =	simm.s32 $0x1BF5;
	[smem:$0x3FBC] =	sst s0  }
0x18: {  	s0 =	sld [smem:$0x3F9F];
	_ =	swait.ge [sflag:s4], $0x0  }
0x19: {  	s7 =	sld [smem:$0x3FA0]  }
0x1a: {  	s8 =	sadd.s32 $0xFFFFE003, lr  }
0x1b: {  	s9 =	sadd.s32 $0xFFFFFEF7, lr;
	s5 =	simm.s32 $0xFFFFFFFF;
	p2 =	slt.u32 s8, $0xFFFFF086  }
0x1c: {  	p1 =	slt.u32 s9, $0xF7A;
	s5 =	simm.s32 @!p2 $0x0  }
0x1d: {  	s5 =	simm.s32 @p1 $0x1;
	p0 =	seq.s32 s7, s2  }
0x1e: {  	s7 =	smul.u32 @!p0 $0xF7A, s2;
	p2 =	seq.s32 @!p0 s5, $0x0  }
0x1f: {  	s9 =	smul.u32 $0xF7A, s1;
	s8 =	simm.s32 @!p0 $0x1BF5;
	p2 =	por !p2, p0  }
0x20: {  	[sflag:s8] =	ssyncset.s32 @!p0 $0xFFFFF086;
	s6 =	sadd.s32 @!p0 s3, s7;
	s7 =	simm.s32 @!p0 $0x108  }
0x21: {  	s3 =	sadd.s32 s3, s9;
	s6 =	sadd.s32 @!p0 $0x88, s6;
	s7 =	simm.s32 @p2 $0x1082  }
0x22: {  	[simem:s7], [sflag:s8] =	dma.local @!p0 [hbm:s6], $0xF7A  }
0x23: {  	s9 =	sor.u32 $0xD0000000, s2;
	s6 =	simm.s32 $0x108;
	_ =	swait.ge @!p0 [sflag:s8], $0x0  }
0x24: {  	s3 =	sadd.s32 $0x88, s3;
	s6 =	simm.s32 @!p1 $0x1082;
	[sflag:s4] =	ssyncset.s32 $0xFFFFF086  }
0x25: {  	[simem:s6], [sflag:s4] =	dma.local [hbm:s3], $0xF7A  }
0x26: {  	[smem:$0x3FA0] =	sst s1;
	(tag) =	ssettag s2;
	_ =	strace s9  }
0x27: {  	s1 =	sld [smem:$0x3FB0]  }
0x28: {  	s2 =	sld [smem:$0x3FB1]  }
0x29: {  	s4 =	sld [smem:$0x3FB3]  }
0x2a: {  	p0 =	seq.s32 s5, $0x0;
	s5 =	sld [smem:$0x3FB4]  }
0x2b: {  	s6 =	sld [smem:$0x3FB5]  }
0x2c: {  	s7 =	sld [smem:$0x3FB6]  }
0x2d: {  	s3 =	simm.s32 $0x108;
	s8 =	sld [smem:$0x3FB7]  }
0x2e: {  	s3 =	simm.s32 @!p0 $0x1082;
	s9 =	sld [smem:$0x3FB8]  }
0x2f: {  	lr =	sadd.s32 s0, s3;
	s0 =	sld [smem:$0x3FAF]  }
0x30: {  	s3 =	sld [smem:$0x3FB2]  }
0x31: {  	[smem:$0x3FBB] =	sst s10  }
0x32: {  	s10 =	sld [smem:$0x3FB9];
	_ =	sdelay $0x3  }
0x33: {  	p0 =	seq.s32 s10, $0x1;
	s10 =	sld [smem:$0x3FBB];
	_ =	sdelay $0x3  }
0x34: {  	[smem:$0x3FBB] =	sst s10  }
0x35: {  	s10 =	sld [smem:$0x3FBA];
	_ =	sdelay $0x3  }
0x36: {  	p1 =	seq.s32 s10, $0x1;
	s10 =	sld [smem:$0x3FBB];
	_ =	sdelay $0x3  }
0x37: {  	[smem:$0x3FBB] =	sst s10  }
0x38: {  	s10 =	sld [smem:$0x3FBC]  }
0x39: {  	_ = 	snop;
	(pc) =	sbr.ind lr, $3  }
0x3a: {  	_ = 	snop  }
0x3b: {  	_ = 	snop  }
0x3c: {  	p2 =	seq.s32 s10, $0x1;
	s10 =	sld [smem:$0x3FBB]  }
0x3d: {  	_ =	shalt  }
0x3e: {  	_ =	shalt  }
0x3f: {  	_ =	shalt  }
0x40: {  	_ =	shalt  }
0x41: {  	_ =	shalt  }
0x42: {  	_ =	shalt  }
0x43: {  	_ =	shalt  }
0x44: {  	_ =	shalt  }
0x45: {  	_ =	shalt  }
0x46: {  	_ =	shalt  }
0x47: {  	_ =	shalt  }
0x48: {  	_ =	shalt  }
0x49: {  	_ =	shalt  }
0x4a: {  	_ =	shalt  }
0x4b: {  	_ =	shalt  }
0x4c: {  	_ =	shalt  }
0x4d: {  	_ =	shalt  }
0x4e: {  	_ =	shalt  }
0x4f: {  	_ =	shalt  }
0x50: {  	_ =	shalt  }
0x51: {  	_ =	shalt  }
0x52: {  	_ =	shalt  }
0x53: {  	_ =	shalt  }
0x54: {  	_ =	shalt  }
0x55: {  	_ =	shalt  }
0x56: {  	_ =	shalt  }
0x57: {  	_ =	shalt  }
0x58: {  	_ =	shalt  }
0x59: {  	_ =	shalt  }
0x5a: {  	_ =	shalt  }
0x5b: {  	_ =	shalt  }
0x5c: {  	_ =	shalt  }
0x5d: {  	_ =	shalt  }
0x5e: {  	_ =	shalt  }
0x5f: {  	_ =	shalt  }
0x60: {  	_ =	shalt  }
0x61: {  	_ =	shalt  }
0x62: {  	_ =	shalt  }
0x63: {  	_ =	shalt  }
0x64: {  	_ =	shalt  }
0x65: {  	_ =	shalt  }
0x66: {  	_ =	shalt  }
0x67: {  	_ =	shalt  }
0x68: {  	_ =	shalt  }
0x69: {  	_ =	shalt  }
0x6a: {  	_ =	shalt  }
0x6b: {  	_ =	shalt  }
0x6c: {  	_ =	shalt  }
0x6d: {  	_ =	shalt  }
0x6e: {  	_ =	shalt  }
0x6f: {  	_ =	shalt  }
0x70: {  	_ =	shalt  }
0x71: {  	_ =	shalt  }
0x72: {  	_ =	shalt  }
0x73: {  	_ =	shalt  }
0x74: {  	_ =	shalt  }
0x75: {  	_ =	shalt  }
0x76: {  	_ =	shalt  }
0x77: {  	_ =	shalt  }
0x78: {  	_ =	shalt  }
0x79: {  	_ =	shalt  }
0x7a: {  	_ =	shalt  }
0x7b: {  	_ =	shalt  }
0x7c: {  	_ =	shalt  }
0x7d: {  	_ =	shalt  }
0x7e: {  	_ =	shalt  }
0x7f: {  	_ =	shalt  }
0x80: {  	_ =	shalt  }
0x81: {  	_ =	shalt  }
0x82: {  	_ =	shalt  }
0x83: {  	_ =	shalt  }
0x84: {  	_ =	shalt  }
0x85: {  	_ =	shalt  }
0x86: {  	_ =	shalt  }
0x87: {  	_ =	shalt  }
.Lfunc_end0:
.L_simem_size_0:
called_computation_lowered:
.L_overlay_start_0:
0x88: {  	s2 =	sld [smem:$0x3FD9]  }
0x89: {  	s3 =	sld [smem:$0x3FFE];
	_ =	sdelay $0x1  }
0x8a: {  	s1 =	srdreg.scid  }
0x8b: {  	s0 =	sand.u32 $0x1, s1  }
0x8c: {  	s18 =	sshll.u32 s0, $0xA;
	s2 =	sadd.s32 s3, s2  }
0x8d: {  	s2 =	sadd.s32 s2, s18  }
0x8e: {  	[smem:$0x3FC7] =	sst s2  }
0x8f: {  	_ = 	snop  }
0x90: {  	s2 =	sld [smem:$0x3FC9]  }
0x91: {  	s19 =	sld [smem:$0x3FD0];
	(tm) =	ssettm $0x1  }
0x92: {  	s4 =	sld [smem:$0x3FFB];
	_ =	sdelay $0x3  }
0x93: {  	_ =	strace s4  }
0x94: {  	s4 =	sld [smem:$0x3FFC];
	_ =	sdelay $0x3  }
0x95: {  	_ =	strace s4  }
0x96: {  	s4 =	sld [smem:$0x3FFD];
	_ =	sdelay $0x3  }
0x97: {  	_ =	strace s4  }
0x98: {  	_ =	strace $0x8FFFFFFF  }
0x99: {  	s20 =	sld [smem:$0x3FDB];
	_ =	sdelay $0x1  }
0x9a: {  	s5 =	simm.s32 $_scs_section_size  }
0x9b: {  	s6 =	simm.s32 $_size__tile_overlayer_lowered;
	s7 =	simm.s32 $_tile_overlayer_lowered  }
0x9c: {  	s23 =	simm.s32 $0x1BFF;
	s22 =	sshll.u32 s7, $0x1;
	s4 =	sadd.s32 s5, s20  }
0x9d: {  	s8 =	simm.s32 $0x0;
	s21 =	sshll.u32 s6, $0x1;
	s6 =	sadd.s32 s22, s4  }
0x9e: {  	[timem:s8], [sflag:s23] =	dma.local [hbm:s6], s21  }
0x9f: {  	_ =	swait.ge [sflag:s23], s21  }
0xa0: {  	s5 =	ssub.s32 $0x0, s21;
	[sflag:s23] =	ssyncset.done $0x0  }
0xa1: {  	[sflag:s23] =	ssyncadd.s32 s5;
	_ =	sdelay $0x1  }
0xa2: {  	s24 =	simm.s32 $0x1B8B  }
0xa3: {  	_ =	swait.ge [sflag:s24], $0x1  }
0xa4: {  	[sflag:s24] =	ssyncset.done $0x0  }
0xa5: {  	s25 =	simm.s32 $0x1B8E;
	[sflag:s24] =	ssyncadd.s32 $0xFFFFFFFF  }
0xa6: {  	s26 =	simm.s32 $execute0_lowered;
	[smem:$0x3FD2] =	sst s25  }
0xa7: {  	s5 =	sshll.u32 s26, $0x1;
	_ =	strace $0x80000046;
	[dreg:$0x1] =	wrdreg $0xFFFFFFFF  }
0xa8: {  	s28 =	simm.s32 $_size_execute0_lowered;
	s4 =	sadd.s32 s4, s5;
	[dreg:$0x0] =	wrdreg $0x0  }
0xa9: {  	s5 =	sshll.u32 s28, $0x1;
	[dreg:$0x2] =	wrdreg s4  }
0xaa: {  	[dreg:$0x3] =	wrdreg s5  }
0xab: {  	[dreg:$0x4] =	wrdreg $0xC0  }
0xac: {  	_ =	task [dreg:s8], $0x5FFFF  }
0xad: {  	[dreg:$0x1] =	wrdreg $0xFFFFFFFF  }
0xae: {  	[dreg:$0x0] =	wrdreg $0x60  }
0xaf: {  	[dreg:$0x2] =	wrdreg s2  }
0xb0: {  	[dreg:$0x3] =	wrdreg s19  }
0xb1: {  	[dreg:$0x4] =	wrdreg $0x9  }
0xb2: {  	_ =	task.clear_ibuf [dreg:s8], $0x5FFFF;
	_ =	strace $0x90000046  }
0xb3: {  	s29 =	simm.s32 $0x9;
	_ =	strace $0x80000048  }
0xb4: {  	_ =	swait.ge [sflag:s29], $0x1  }
0xb5: {  	[sflag:s29] =	ssyncadd.s32 $0xFFFFFFFF  }
0xb6: {  	_ =	strace $0x90000048  }
0xb7: {  	_ =	sfence  }
0xb8: {  	s30 =	sld [smem:$0x0];
	_ =	sdelay $0x2  }
0xb9: {  	s31 =	sshll.u32 s1, $0xD;
	s1 =	sshrl.u32 s1, $0x2  }
0xba: {  	s3 =	sand.u32 $0x4000, s31;
	s1 =	sadd.s32 s1, s30  }
0xbb: {  	s0 =	sor.u32 s3, s0;
	s1 =	sshll.u32 s1, $0x11  }
0xbc: {  	s0 =	sor.u32 s1, s0  }
0xbd: {  	s0 =	sadd.s32 $0x8F2B, s0  }
0xbe: {  	[sflag:s0] =	ssyncadd.remote.s32 $0x1  }
0xbf: {  	_ =	sfence.sel $0xFFFF  }
0xc0: {  	[dreg:$0x0] =	wrdreg $0xFFFFFFFF;
	(pc) =	sbr.abs _section_cstart, $3  }
0xc1: {  	[dreg:$0x1] =	wrdreg $0xFFFFFFFF  }
0xc2: {  	_ =	task.clear_ibuf [dreg:s8], $0x2FFFF;
	_ =	strace $0x9FFFFFFF  }
0xc3: {  	(tm) =	ssettm $0x7FFFFFFF  }
tec
execute0_lowered:
.L_overlay_start_1:
0x0: {  	(tag) =	ssettag $0x1  }
0x1: {  	s0 =	rddreg [dreg:$0x0]  }
0x2: {  	s3 =	rddreg [dreg:$0x1]  }
0x3: {  	s2 =	simm.s32 $0x0;
	s4 =	srdreg.scid;
	s1 =	stileid.u32  }
0x4: {  	p0 =	por $0x0, $0x0;
	s9 =	simm.s32 $0x1;
	s4 =	sand.u32 $0x1, s4  }
0x5: {  	s6 =	sshll.u32 s1, $0xF;
	s5 =	ssub.s32 $0x2, s4;
	s4 =	sshll.u32 s4, $0x13  }
0x6: {  	[smem:$0x7FF] =	sst s2;
	s7 =	sshrl.u32 s5, $0x1;
	s4 =	sor.u32 s6, s4  }
0x7: {  	_ =	strace $0x80000047;
	s7 =	ssub.s32 s5, s7;
	s10 =	sadd.s32 s0, s4  }
0x8: {  	s23 =	sadd.s32 s3, s4;
	s11 =	sor.u32 $0x1000, s4;
	s12 =	sor.u32 $0x2C00, s4  }
0x9: {  	s13 =	sor.u32 $0x4800, s4;
	s4 =	sor.u32 $0x6400, s4;
	[dreg:$0x3] =	wrdreg s10  }
0xa: {  	s26 =	sadd.s32 $0x100000, s23;
	s28 =	sadd.s32 $0x200000, s23;
	s29 =	sadd.s32 $0x300000, s23  }
0xb: {  	s30 =	sadd.s32 s0, s11;
	s21 =	sadd.s32 s3, s11;
	s22 =	sadd.s32 $0x101000, s23  }
0xc: {  	s24 =	sadd.s32 $0x201000, s23;
	s25 =	sadd.s32 $0x301000, s23;
	s20 =	sadd.s32 s0, s12  }
0xd: {  	s16 =	sadd.s32 s3, s12;
	s17 =	sadd.s32 $0x102C00, s23;
	s15 =	smax.u32 s7, $0x1  }
0xe: {  	s18 =	sadd.s32 $0x202C00, s23;
	s19 =	sadd.s32 $0x302C00, s23;
	p1 =	sne.s32 s15, $0x1  }
.Ltmp0:
0xf: {  	s14 =	sadd.s32 s0, s13;
	s11 =	sadd.s32 $0x104800, s23;
	(pc) =	sbr.rel @!p1 .LBB2_3-.Ltmp0, $4  }
0x10: {  	s10 =	sadd.s32 s3, s13;
	s12 =	sadd.s32 $0x204800, s23;
	s13 =	sadd.s32 $0x304800, s23  }
0x11: {  	s6 =	sadd.s32 s0, s4;
	s4 =	sadd.s32 s3, s4;
	s5 =	sadd.s32 $0x106400, s23  }
0x12: {  	s7 =	sadd.s32 $0x206400, s23;
	s8 =	sadd.s32 $0x306400, s23;
	s3 =	simm.s32 $0x2  }
0x13: {  	s31 =	sadd.s32 $0xFFFFFFFF, s15;
	s15 =	simm.s32 $0xE000;
	s0 =	rddreg [dreg:$0x3]  }
0x14: {  	[tilespmem:s2], [sflag:$0x1] =	stream.linear.gather [hbm4b:s0+s2], $0x8000, $0x38;
	[tilespmem:$0x1C000] =	vst v63  }
0x15: {  	_ =	swait.ge [sflag:s9], $0x8000  }
0x16: {  	[sflag:s9] =	ssyncset.done $0x0  }
0x17: {  	[sflag:s9] =	ssyncadd.s32 $0xFFFF8000  }
0x18: {  	[hbm4b:s23+s2] =	stream.linear.scatter [tilespmem:s2], [sflag:$0x2], $0x8000, $0x38;
	[tilespmem:$0x1C000] =	vst v63  }
0x19: {  	_ = 	snop  }
0x1a: {  	[hbm4b:s26+s2] =	stream.linear.scatter [tilespmem:s2], [sflag:$0x2], $0x8000, $0x38;
	[tilespmem:$0x1C000] =	vst v63  }
0x1b: {  	_ = 	snop  }
0x1c: {  	[hbm4b:s28+s2] =	stream.linear.scatter [tilespmem:s2], [sflag:$0x2], $0x8000, $0x38;
	[tilespmem:$0x1C000] =	vst v63  }
0x1d: {  	_ = 	snop  }
0x1e: {  	[hbm4b:s29+s2] =	stream.linear.scatter [tilespmem:s2], [sflag:$0x2], $0x8000, $0x38;
	[tilespmem:$0x1C000] =	vst v63  }
0x1f: {  	_ = 	snop  }
0x20: {  	[tilespmem:s15], [sflag:$0x1] =	stream.linear.gather [hbm4b:s30+s2], $0xE000, $0x38;
	[tilespmem:$0x1C000] =	vst v63  }
0x21: {  	_ =	swait.ge [sflag:s9], $0xE000  }
0x22: {  	[sflag:s9] =	ssyncset.done $0x0  }
0x23: {  	[sflag:s9] =	ssyncadd.s32 $0xFFFF2000  }
0x24: {  	[hbm4b:s21+s2] =	stream.linear.scatter [tilespmem:s15], [sflag:$0x2], $0xE000, $0x38;
	[tilespmem:$0x1C000] =	vst v63  }
0x25: {  	_ = 	snop  }
0x26: {  	[hbm4b:s22+s2] =	stream.linear.scatter [tilespmem:s15], [sflag:$0x2], $0xE000, $0x38;
	[tilespmem:$0x1C000] =	vst v63  }
0x27: {  	_ = 	snop  }
0x28: {  	[hbm4b:s24+s2] =	stream.linear.scatter [tilespmem:s15], [sflag:$0x2], $0xE000, $0x38;
	[tilespmem:$0x1C000] =	vst v63  }
0x29: {  	_ = 	snop  }
0x2a: {  	[hbm4b:s25+s2] =	stream.linear.scatter [tilespmem:s15], [sflag:$0x2], $0xE000, $0x38;
	[tilespmem:$0x1C000] =	vst v63  }
0x2b: {  	_ =	swait.ge [sflag:s3], $0x8000  }
0x2c: {  	[sflag:s3] =	ssyncset.done $0x0  }
0x2d: {  	[sflag:s3] =	ssyncadd.s32 $0xFFFF8000  }
0x2e: {  	_ =	swait.ge [sflag:s3], $0x8000  }
0x2f: {  	[sflag:s3] =	ssyncset.done $0x0  }
0x30: {  	[sflag:s3] =	ssyncadd.s32 $0xFFFF8000  }
0x31: {  	_ =	swait.ge [sflag:s3], $0x8000  }
0x32: {  	[sflag:s3] =	ssyncset.done $0x0  }
0x33: {  	[sflag:s3] =	ssyncadd.s32 $0xFFFF8000  }
0x34: {  	_ =	swait.ge [sflag:s3], $0x8000  }
0x35: {  	[sflag:s3] =	ssyncset.done $0x0  }
0x36: {  	[sflag:s3] =	ssyncadd.s32 $0xFFFF8000  }
0x37: {  	[tilespmem:s2], [sflag:$0x1] =	stream.linear.gather [hbm4b:s20+s2], $0xE000, $0x38;
	[tilespmem:$0x1C000] =	vst v63  }
0x38: {  	_ =	swait.ge [sflag:s9], $0xE000  }
0x39: {  	[sflag:s9] =	ssyncset.done $0x0  }
0x3a: {  	[sflag:s9] =	ssyncadd.s32 $0xFFFF2000  }
0x3b: {  	[hbm4b:s16+s2] =	stream.linear.scatter [tilespmem:s2], [sflag:$0x2], $0xE000, $0x38;
	[tilespmem:$0x1C000] =	vst v63  }
0x3c: {  	_ = 	snop  }
0x3d: {  	[hbm4b:s17+s2] =	stream.linear.scatter [tilespmem:s2], [sflag:$0x2], $0xE000, $0x38;
	[tilespmem:$0x1C000] =	vst v63  }
0x3e: {  	_ = 	snop  }
0x3f: {  	[hbm4b:s18+s2] =	stream.linear.scatter [tilespmem:s2], [sflag:$0x2], $0xE000, $0x38;
	[tilespmem:$0x1C000] =	vst v63  }
0x40: {  	_ = 	snop  }
0x41: {  	[hbm4b:s19+s2] =	stream.linear.scatter [tilespmem:s2], [sflag:$0x2], $0xE000, $0x38;
	[tilespmem:$0x1C000] =	vst v63  }
0x42: {  	_ =	swait.ge [sflag:s3], $0xE000  }
0x43: {  	[sflag:s3] =	ssyncset.done $0x0  }
0x44: {  	[sflag:s3] =	ssyncadd.s32 $0xFFFF2000  }
0x45: {  	_ =	swait.ge [sflag:s3], $0xE000  }
0x46: {  	[sflag:s3] =	ssyncset.done $0x0  }
0x47: {  	[sflag:s3] =	ssyncadd.s32 $0xFFFF2000  }
0x48: {  	_ =	swait.ge [sflag:s3], $0xE000  }
0x49: {  	[sflag:s3] =	ssyncset.done $0x0  }
0x4a: {  	[sflag:s3] =	ssyncadd.s32 $0xFFFF2000  }
0x4b: {  	_ =	swait.ge [sflag:s3], $0xE000  }
0x4c: {  	[sflag:s3] =	ssyncset.done $0x0  }
0x4d: {  	[sflag:s3] =	ssyncadd.s32 $0xFFFF2000  }
0x4e: {  	[tilespmem:s15], [sflag:$0x1] =	stream.linear.gather [hbm4b:s14+s2], $0xE000, $0x38;
	[tilespmem:$0x1C000] =	vst v63  }
0x4f: {  	_ =	swait.ge [sflag:s9], $0xE000  }
0x50: {  	[sflag:s9] =	ssyncset.done $0x0  }
0x51: {  	[sflag:s9] =	ssyncadd.s32 $0xFFFF2000  }
0x52: {  	[hbm4b:s10+s2] =	stream.linear.scatter [tilespmem:s15], [sflag:$0x2], $0xE000, $0x38;
	[tilespmem:$0x1C000] =	vst v63  }
0x53: {  	_ = 	snop  }
0x54: {  	[hbm4b:s11+s2] =	stream.linear.scatter [tilespmem:s15], [sflag:$0x2], $0xE000, $0x38;
	[tilespmem:$0x1C000] =	vst v63  }
0x55: {  	_ = 	snop  }
0x56: {  	[hbm4b:s12+s2] =	stream.linear.scatter [tilespmem:s15], [sflag:$0x2], $0xE000, $0x38;
	[tilespmem:$0x1C000] =	vst v63  }
0x57: {  	_ = 	snop  }
0x58: {  	[hbm4b:s13+s2] =	stream.linear.scatter [tilespmem:s15], [sflag:$0x2], $0xE000, $0x38;
	[tilespmem:$0x1C000] =	vst v63  }
0x59: {  	_ =	swait.ge [sflag:s3], $0xE000  }
0x5a: {  	[sflag:s3] =	ssyncset.done $0x0  }
0x5b: {  	[sflag:s3] =	ssyncadd.s32 $0xFFFF2000  }
0x5c: {  	_ =	swait.ge [sflag:s3], $0xE000  }
0x5d: {  	[sflag:s3] =	ssyncset.done $0x0  }
0x5e: {  	[sflag:s3] =	ssyncadd.s32 $0xFFFF2000  }
0x5f: {  	_ =	swait.ge [sflag:s3], $0xE000  }
0x60: {  	[sflag:s3] =	ssyncset.done $0x0  }
0x61: {  	[sflag:s3] =	ssyncadd.s32 $0xFFFF2000  }
0x62: {  	_ =	swait.ge [sflag:s3], $0xE000  }
0x63: {  	[sflag:s3] =	ssyncset.done $0x0  }
0x64: {  	[sflag:s3] =	ssyncadd.s32 $0xFFFF2000  }
0x65: {  	[tilespmem:s2], [sflag:$0x1] =	stream.linear.gather [hbm4b:s6+s2], $0xE000, $0x38;
	[tilespmem:$0x1C000] =	vst v63  }
0x66: {  	_ =	swait.ge [sflag:s9], $0xE000  }
0x67: {  	[sflag:s9] =	ssyncset.done $0x0  }
0x68: {  	[sflag:s9] =	ssyncadd.s32 $0xFFFF2000  }
0x69: {  	[hbm4b:s4+s2] =	stream.linear.scatter [tilespmem:s2], [sflag:$0x2], $0xE000, $0x38;
	[tilespmem:$0x1C000] =	vst v63  }
0x6a: {  	_ = 	snop  }
0x6b: {  	[hbm4b:s5+s2] =	stream.linear.scatter [tilespmem:s2], [sflag:$0x2], $0xE000, $0x38;
	[tilespmem:$0x1C000] =	vst v63  }
0x6c: {  	_ = 	snop  }
0x6d: {  	[hbm4b:s7+s2] =	stream.linear.scatter [tilespmem:s2], [sflag:$0x2], $0xE000, $0x38;
	[tilespmem:$0x1C000] =	vst v63  }
0x6e: {  	_ = 	snop  }
0x6f: {  	[hbm4b:s8+s2] =	stream.linear.scatter [tilespmem:s2], [sflag:$0x2], $0xE000, $0x38;
	[tilespmem:$0x1C000] =	vst v63  }
0x70: {  	_ =	swait.ge [sflag:s3], $0xE000  }
0x71: {  	[sflag:s3] =	ssyncset.done $0x0  }
0x72: {  	[sflag:s3] =	ssyncadd.s32 $0xFFFF2000  }
0x73: {  	_ =	swait.ge [sflag:s3], $0xE000  }
0x74: {  	[sflag:s3] =	ssyncset.done $0x0  }
0x75: {  	[sflag:s3] =	ssyncadd.s32 $0xFFFF2000  }
0x76: {  	_ =	swait.ge [sflag:s3], $0xE000  }
0x77: {  	[sflag:s3] =	ssyncset.done $0x0  }
0x78: {  	[sflag:s3] =	ssyncadd.s32 $0xFFFF2000  }
0x79: {  	_ =	swait.ge [sflag:s3], $0xE000  }
0x7a: {  	[sflag:s3] =	ssyncset.done $0x0  }
0x7b: {  	[sflag:s3] =	ssyncadd.s32 $0xFFFF2000  }
0x7c: {  	_ =	swait.ge [sflag:s3], $0xE000  }
0x7d: {  	[sflag:s3] =	ssyncset.done $0x0  }
0x7e: {  	[sflag:s3] =	ssyncadd.s32 $0xFFFF2000  }
0x7f: {  	_ =	swait.ge [sflag:s3], $0xE000  }
0x80: {  	[sflag:s3] =	ssyncset.done $0x0  }
0x81: {  	p1 =	sne.s32 s31, $0x1;
	[sflag:s3] =	ssyncadd.s32 $0xFFFF2000  }
.Ltmp1:
0x82: {  	_ =	swait.ge [sflag:s3], $0xE000;
	(pc) =	sbr.rel @!p1 .LBB2_3-.Ltmp1, $4  }
0x83: {  	[sflag:s3] =	ssyncset.done $0x0  }
0x84: {  	[sflag:s3] =	ssyncadd.s32 $0xFFFF2000  }
0x85: {  	s31 =	sadd.s32 $0xFFFFFFFF, s31;
	_ =	swait.ge [sflag:s3], $0xE000  }
0x86: {  	p0 =	por $0x1, $0x1;
	s0 =	rddreg [dreg:$0x3];
	[sflag:s3] =	ssyncset.done $0x0  }
.LBB2_2:
0x87: {  	[sflag:s3] =	ssyncadd.s32 $0xFFFF2000  }
0x88: {  	[tilespmem:s2], [sflag:$0x1] =	stream.linear.gather [hbm4b:s0+s2], $0x8000, $0x38;
	[tilespmem:$0x1C000] =	vst v63  }
0x89: {  	_ =	swait.ge [sflag:s9], $0x8000  }
0x8a: {  	[sflag:s9] =	ssyncset.done $0x0  }
0x8b: {  	[sflag:s9] =	ssyncadd.s32 $0xFFFF8000  }
0x8c: {  	[hbm4b:s23+s2] =	stream.linear.scatter [tilespmem:s2], [sflag:$0x2], $0x8000, $0x38;
	[tilespmem:$0x1C000] =	vst v63  }
0x8d: {  	_ = 	snop  }
0x8e: {  	[hbm4b:s26+s2] =	stream.linear.scatter [tilespmem:s2], [sflag:$0x2], $0x8000, $0x38;
	[tilespmem:$0x1C000] =	vst v63  }
0x8f: {  	_ = 	snop  }
0x90: {  	[hbm4b:s28+s2] =	stream.linear.scatter [tilespmem:s2], [sflag:$0x2], $0x8000, $0x38;
	[tilespmem:$0x1C000] =	vst v63  }
0x91: {  	_ = 	snop  }
0x92: {  	[hbm4b:s29+s2] =	stream.linear.scatter [tilespmem:s2], [sflag:$0x2], $0x8000, $0x38;
	[tilespmem:$0x1C000] =	vst v63  }
0x93: {  	_ = 	snop  }
0x94: {  	[tilespmem:s15], [sflag:$0x1] =	stream.linear.gather [hbm4b:s30+s2], $0xE000, $0x38;
	[tilespmem:$0x1C000] =	vst v63  }
0x95: {  	_ =	swait.ge [sflag:s9], $0xE000  }
0x96: {  	[sflag:s9] =	ssyncset.done $0x0  }
0x97: {  	[sflag:s9] =	ssyncadd.s32 $0xFFFF2000  }
0x98: {  	[hbm4b:s21+s2] =	stream.linear.scatter [tilespmem:s15], [sflag:$0x2], $0xE000, $0x38;
	[tilespmem:$0x1C000] =	vst v63  }
0x99: {  	_ = 	snop  }
0x9a: {  	[hbm4b:s22+s2] =	stream.linear.scatter [tilespmem:s15], [sflag:$0x2], $0xE000, $0x38;
	[tilespmem:$0x1C000] =	vst v63  }
0x9b: {  	_ = 	snop  }
0x9c: {  	[hbm4b:s24+s2] =	stream.linear.scatter [tilespmem:s15], [sflag:$0x2], $0xE000, $0x38;
	[tilespmem:$0x1C000] =	vst v63  }
0x9d: {  	_ = 	snop  }
0x9e: {  	[hbm4b:s25+s2] =	stream.linear.scatter [tilespmem:s15], [sflag:$0x2], $0xE000, $0x38;
	[tilespmem:$0x1C000] =	vst v63  }
0x9f: {  	_ =	swait.ge [sflag:s3], $0x8000  }
0xa0: {  	[sflag:s3] =	ssyncset.done $0x0  }
0xa1: {  	[sflag:s3] =	ssyncadd.s32 $0xFFFF8000  }
0xa2: {  	_ =	swait.ge [sflag:s3], $0x8000  }
0xa3: {  	[sflag:s3] =	ssyncset.done $0x0  }
0xa4: {  	[sflag:s3] =	ssyncadd.s32 $0xFFFF8000  }
0xa5: {  	_ =	swait.ge [sflag:s3], $0x8000  }
0xa6: {  	[sflag:s3] =	ssyncset.done $0x0  }
0xa7: {  	[sflag:s3] =	ssyncadd.s32 $0xFFFF8000  }
0xa8: {  	_ =	swait.ge [sflag:s3], $0x8000  }
0xa9: {  	[sflag:s3] =	ssyncset.done $0x0  }
0xaa: {  	[sflag:s3] =	ssyncadd.s32 $0xFFFF8000  }
0xab: {  	[tilespmem:s2], [sflag:$0x1] =	stream.linear.gather [hbm4b:s20+s2], $0xE000, $0x38;
	[tilespmem:$0x1C000] =	vst v63  }
0xac: {  	_ =	swait.ge [sflag:s9], $0xE000  }
0xad: {  	[sflag:s9] =	ssyncset.done $0x0  }
0xae: {  	[sflag:s9] =	ssyncadd.s32 $0xFFFF2000  }
0xaf: {  	[hbm4b:s16+s2] =	stream.linear.scatter [tilespmem:s2], [sflag:$0x2], $0xE000, $0x38;
	[tilespmem:$0x1C000] =	vst v63  }
0xb0: {  	_ = 	snop  }
0xb1: {  	[hbm4b:s17+s2] =	stream.linear.scatter [tilespmem:s2], [sflag:$0x2], $0xE000, $0x38;
	[tilespmem:$0x1C000] =	vst v63  }
0xb2: {  	_ = 	snop  }
0xb3: {  	[hbm4b:s18+s2] =	stream.linear.scatter [tilespmem:s2], [sflag:$0x2], $0xE000, $0x38;
	[tilespmem:$0x1C000] =	vst v63  }
0xb4: {  	_ = 	snop  }
0xb5: {  	[hbm4b:s19+s2] =	stream.linear.scatter [tilespmem:s2], [sflag:$0x2], $0xE000, $0x38;
	[tilespmem:$0x1C000] =	vst v63  }
0xb6: {  	_ =	swait.ge [sflag:s3], $0xE000  }
0xb7: {  	[sflag:s3] =	ssyncset.done $0x0  }
0xb8: {  	[sflag:s3] =	ssyncadd.s32 $0xFFFF2000  }
0xb9: {  	_ =	swait.ge [sflag:s3], $0xE000  }
0xba: {  	[sflag:s3] =	ssyncset.done $0x0  }
0xbb: {  	[sflag:s3] =	ssyncadd.s32 $0xFFFF2000  }
0xbc: {  	_ =	swait.ge [sflag:s3], $0xE000  }
0xbd: {  	[sflag:s3] =	ssyncset.done $0x0  }
0xbe: {  	[sflag:s3] =	ssyncadd.s32 $0xFFFF2000  }
0xbf: {  	_ =	swait.ge [sflag:s3], $0xE000  }
0xc0: {  	[sflag:s3] =	ssyncset.done $0x0  }
0xc1: {  	[sflag:s3] =	ssyncadd.s32 $0xFFFF2000  }
0xc2: {  	[tilespmem:s15], [sflag:$0x1] =	stream.linear.gather [hbm4b:s14+s2], $0xE000, $0x38;
	[tilespmem:$0x1C000] =	vst v63  }
0xc3: {  	_ =	swait.ge [sflag:s9], $0xE000  }
0xc4: {  	[sflag:s9] =	ssyncset.done $0x0  }
0xc5: {  	[sflag:s9] =	ssyncadd.s32 $0xFFFF2000  }
0xc6: {  	[hbm4b:s10+s2] =	stream.linear.scatter [tilespmem:s15], [sflag:$0x2], $0xE000, $0x38;
	[tilespmem:$0x1C000] =	vst v63  }
0xc7: {  	_ = 	snop  }
0xc8: {  	[hbm4b:s11+s2] =	stream.linear.scatter [tilespmem:s15], [sflag:$0x2], $0xE000, $0x38;
	[tilespmem:$0x1C000] =	vst v63  }
0xc9: {  	_ = 	snop  }
0xca: {  	[hbm4b:s12+s2] =	stream.linear.scatter [tilespmem:s15], [sflag:$0x2], $0xE000, $0x38;
	[tilespmem:$0x1C000] =	vst v63  }
0xcb: {  	_ = 	snop  }
0xcc: {  	[hbm4b:s13+s2] =	stream.linear.scatter [tilespmem:s15], [sflag:$0x2], $0xE000, $0x38;
	[tilespmem:$0x1C000] =	vst v63  }
0xcd: {  	_ =	swait.ge [sflag:s3], $0xE000  }
0xce: {  	[sflag:s3] =	ssyncset.done $0x0  }
0xcf: {  	[sflag:s3] =	ssyncadd.s32 $0xFFFF2000  }
0xd0: {  	_ =	swait.ge [sflag:s3], $0xE000  }
0xd1: {  	[sflag:s3] =	ssyncset.done $0x0  }
0xd2: {  	[sflag:s3] =	ssyncadd.s32 $0xFFFF2000  }
0xd3: {  	_ =	swait.ge [sflag:s3], $0xE000  }
0xd4: {  	[sflag:s3] =	ssyncset.done $0x0  }
0xd5: {  	[sflag:s3] =	ssyncadd.s32 $0xFFFF2000  }
0xd6: {  	_ =	swait.ge [sflag:s3], $0xE000  }
0xd7: {  	[sflag:s3] =	ssyncset.done $0x0  }
0xd8: {  	[sflag:s3] =	ssyncadd.s32 $0xFFFF2000  }
0xd9: {  	[tilespmem:s2], [sflag:$0x1] =	stream.linear.gather [hbm4b:s6+s2], $0xE000, $0x38;
	[tilespmem:$0x1C000] =	vst v63  }
0xda: {  	_ =	swait.ge [sflag:s9], $0xE000  }
0xdb: {  	[sflag:s9] =	ssyncset.done $0x0  }
0xdc: {  	[sflag:s9] =	ssyncadd.s32 $0xFFFF2000  }
0xdd: {  	[hbm4b:s4+s2] =	stream.linear.scatter [tilespmem:s2], [sflag:$0x2], $0xE000, $0x38;
	[tilespmem:$0x1C000] =	vst v63  }
0xde: {  	_ = 	snop  }
0xdf: {  	[hbm4b:s5+s2] =	stream.linear.scatter [tilespmem:s2], [sflag:$0x2], $0xE000, $0x38;
	[tilespmem:$0x1C000] =	vst v63  }
0xe0: {  	_ = 	snop  }
0xe1: {  	[hbm4b:s7+s2] =	stream.linear.scatter [tilespmem:s2], [sflag:$0x2], $0xE000, $0x38;
	[tilespmem:$0x1C000] =	vst v63  }
0xe2: {  	_ = 	snop  }
0xe3: {  	[hbm4b:s8+s2] =	stream.linear.scatter [tilespmem:s2], [sflag:$0x2], $0xE000, $0x38;
	[tilespmem:$0x1C000] =	vst v63  }
0xe4: {  	_ =	swait.ge [sflag:s3], $0xE000  }
0xe5: {  	[sflag:s3] =	ssyncset.done $0x0  }
0xe6: {  	[sflag:s3] =	ssyncadd.s32 $0xFFFF2000  }
0xe7: {  	_ =	swait.ge [sflag:s3], $0xE000  }
0xe8: {  	[sflag:s3] =	ssyncset.done $0x0  }
0xe9: {  	[sflag:s3] =	ssyncadd.s32 $0xFFFF2000  }
0xea: {  	_ =	swait.ge [sflag:s3], $0xE000  }
0xeb: {  	[sflag:s3] =	ssyncset.done $0x0  }
0xec: {  	[sflag:s3] =	ssyncadd.s32 $0xFFFF2000  }
0xed: {  	_ =	swait.ge [sflag:s3], $0xE000  }
0xee: {  	[sflag:s3] =	ssyncset.done $0x0  }
0xef: {  	[sflag:s3] =	ssyncadd.s32 $0xFFFF2000  }
0xf0: {  	_ =	swait.ge [sflag:s3], $0xE000  }
0xf1: {  	[sflag:s3] =	ssyncset.done $0x0  }
0xf2: {  	[sflag:s3] =	ssyncadd.s32 $0xFFFF2000  }
0xf3: {  	_ =	swait.ge [sflag:s3], $0xE000  }
0xf4: {  	[sflag:s3] =	ssyncset.done $0x0  }
0xf5: {  	p1 =	sne.s32 s31, $0x1;
	[sflag:s3] =	ssyncadd.s32 $0xFFFF2000  }
.Ltmp2:
0xf6: {  	_ =	swait.ge [sflag:s3], $0xE000;
	(pc) =	sbr.rel @p1 .LBB2_2-.Ltmp2, $4  }
0xf7: {  	[sflag:s3] =	ssyncset.done $0x0  }
0xf8: {  	[sflag:s3] =	ssyncadd.s32 $0xFFFF2000  }
0xf9: {  	_ =	swait.ge [sflag:s3], $0xE000  }
0xfa: {  	s31 =	sadd.s32 $0xFFFFFFFF, s31;
	s0 =	rddreg [dreg:$0x3];
	[sflag:s3] =	ssyncset.done $0x0  }
.LBB2_3:
0xfb: {  	[sflag:s3] =	ssyncadd.s32 @p0 $0xFFFF2000  }
0xfc: {  	[tilespmem:s2], [sflag:$0x1] =	stream.linear.gather [hbm4b:s0+s2], $0x8000, $0x38;
	[tilespmem:$0x1C000] =	vst v63  }
0xfd: {  	_ =	swait.ge [sflag:s9], $0x8000  }
0xfe: {  	[sflag:s9] =	ssyncset.done $0x0  }
0xff: {  	[sflag:s9] =	ssyncadd.s32 $0xFFFF8000  }
0x100: {  	[hbm4b:s23+s2] =	stream.linear.scatter [tilespmem:s2], [sflag:$0x2], $0x8000, $0x38;
	[tilespmem:$0x1C000] =	vst v63  }
0x101: {  	_ = 	snop  }
0x102: {  	[hbm4b:s26+s2] =	stream.linear.scatter [tilespmem:s2], [sflag:$0x2], $0x8000, $0x38;
	[tilespmem:$0x1C000] =	vst v63  }
0x103: {  	_ = 	snop  }
0x104: {  	[hbm4b:s28+s2] =	stream.linear.scatter [tilespmem:s2], [sflag:$0x2], $0x8000, $0x38;
	[tilespmem:$0x1C000] =	vst v63  }
0x105: {  	_ = 	snop  }
0x106: {  	[hbm4b:s29+s2] =	stream.linear.scatter [tilespmem:s2], [sflag:$0x2], $0x8000, $0x38;
	[tilespmem:$0x1C000] =	vst v63  }
0x107: {  	_ = 	snop  }
0x108: {  	[tilespmem:s15], [sflag:$0x1] =	stream.linear.gather [hbm4b:s30+s2], $0xE000, $0x38;
	[tilespmem:$0x1C000] =	vst v63  }
0x109: {  	_ =	swait.ge [sflag:s9], $0xE000  }
0x10a: {  	[sflag:s9] =	ssyncset.done $0x0  }
0x10b: {  	[sflag:s9] =	ssyncadd.s32 $0xFFFF2000  }
0x10c: {  	[hbm4b:s21+s2] =	stream.linear.scatter [tilespmem:s15], [sflag:$0x2], $0xE000, $0x38;
	[tilespmem:$0x1C000] =	vst v63  }
0x10d: {  	_ = 	snop  }
0x10e: {  	[hbm4b:s22+s2] =	stream.linear.scatter [tilespmem:s15], [sflag:$0x2], $0xE000, $0x38;
	[tilespmem:$0x1C000] =	vst v63  }
0x10f: {  	_ = 	snop  }
0x110: {  	[hbm4b:s24+s2] =	stream.linear.scatter [tilespmem:s15], [sflag:$0x2], $0xE000, $0x38;
	[tilespmem:$0x1C000] =	vst v63  }
0x111: {  	_ = 	snop  }
0x112: {  	[hbm4b:s25+s2] =	stream.linear.scatter [tilespmem:s15], [sflag:$0x2], $0xE000, $0x38;
	[tilespmem:$0x1C000] =	vst v63  }
0x113: {  	_ =	swait.ge [sflag:s3], $0x8000  }
0x114: {  	[sflag:s3] =	ssyncset.done $0x0  }
0x115: {  	[sflag:s3] =	ssyncadd.s32 $0xFFFF8000  }
0x116: {  	_ =	swait.ge [sflag:s3], $0x8000  }
0x117: {  	[sflag:s3] =	ssyncset.done $0x0  }
0x118: {  	[sflag:s3] =	ssyncadd.s32 $0xFFFF8000  }
0x119: {  	_ =	swait.ge [sflag:s3], $0x8000  }
0x11a: {  	[sflag:s3] =	ssyncset.done $0x0  }
0x11b: {  	[sflag:s3] =	ssyncadd.s32 $0xFFFF8000  }
0x11c: {  	_ =	swait.ge [sflag:s3], $0x8000  }
0x11d: {  	[sflag:s3] =	ssyncset.done $0x0  }
0x11e: {  	[sflag:s3] =	ssyncadd.s32 $0xFFFF8000  }
0x11f: {  	[tilespmem:s2], [sflag:$0x1] =	stream.linear.gather [hbm4b:s20+s2], $0xE000, $0x38;
	[tilespmem:$0x1C000] =	vst v63  }
0x120: {  	_ =	swait.ge [sflag:s9], $0xE000  }
0x121: {  	[sflag:s9] =	ssyncset.done $0x0  }
0x122: {  	[sflag:s9] =	ssyncadd.s32 $0xFFFF2000  }
0x123: {  	[hbm4b:s16+s2] =	stream.linear.scatter [tilespmem:s2], [sflag:$0x2], $0xE000, $0x38;
	[tilespmem:$0x1C000] =	vst v63  }
0x124: {  	_ = 	snop  }
0x125: {  	[hbm4b:s17+s2] =	stream.linear.scatter [tilespmem:s2], [sflag:$0x2], $0xE000, $0x38;
	[tilespmem:$0x1C000] =	vst v63  }
0x126: {  	_ = 	snop  }
0x127: {  	[hbm4b:s18+s2] =	stream.linear.scatter [tilespmem:s2], [sflag:$0x2], $0xE000, $0x38;
	[tilespmem:$0x1C000] =	vst v63  }
0x128: {  	_ = 	snop  }
0x129: {  	[hbm4b:s19+s2] =	stream.linear.scatter [tilespmem:s2], [sflag:$0x2], $0xE000, $0x38;
	[tilespmem:$0x1C000] =	vst v63  }
0x12a: {  	_ =	swait.ge [sflag:s3], $0xE000  }
0x12b: {  	[sflag:s3] =	ssyncset.done $0x0  }
0x12c: {  	[sflag:s3] =	ssyncadd.s32 $0xFFFF2000  }
0x12d: {  	_ =	swait.ge [sflag:s3], $0xE000  }
0x12e: {  	[sflag:s3] =	ssyncset.done $0x0  }
0x12f: {  	[sflag:s3] =	ssyncadd.s32 $0xFFFF2000  }
0x130: {  	_ =	swait.ge [sflag:s3], $0xE000  }
0x131: {  	[sflag:s3] =	ssyncset.done $0x0  }
0x132: {  	[sflag:s3] =	ssyncadd.s32 $0xFFFF2000  }
0x133: {  	_ =	swait.ge [sflag:s3], $0xE000  }
0x134: {  	[sflag:s3] =	ssyncset.done $0x0  }
0x135: {  	[sflag:s3] =	ssyncadd.s32 $0xFFFF2000  }
0x136: {  	[tilespmem:s15], [sflag:$0x1] =	stream.linear.gather [hbm4b:s14+s2], $0xE000, $0x38;
	[tilespmem:$0x1C000] =	vst v63  }
0x137: {  	_ =	swait.ge [sflag:s9], $0xE000  }
0x138: {  	[sflag:s9] =	ssyncset.done $0x0  }
0x139: {  	[sflag:s9] =	ssyncadd.s32 $0xFFFF2000  }
0x13a: {  	[hbm4b:s10+s2] =	stream.linear.scatter [tilespmem:s15], [sflag:$0x2], $0xE000, $0x38;
	[tilespmem:$0x1C000] =	vst v63  }
0x13b: {  	_ = 	snop  }
0x13c: {  	[hbm4b:s11+s2] =	stream.linear.scatter [tilespmem:s15], [sflag:$0x2], $0xE000, $0x38;
	[tilespmem:$0x1C000] =	vst v63  }
0x13d: {  	_ = 	snop  }
0x13e: {  	[hbm4b:s12+s2] =	stream.linear.scatter [tilespmem:s15], [sflag:$0x2], $0xE000, $0x38;
	[tilespmem:$0x1C000] =	vst v63  }
0x13f: {  	_ = 	snop  }
0x140: {  	[hbm4b:s13+s2] =	stream.linear.scatter [tilespmem:s15], [sflag:$0x2], $0xE000, $0x38;
	[tilespmem:$0x1C000] =	vst v63  }
0x141: {  	_ =	swait.ge [sflag:s3], $0xE000  }
0x142: {  	[sflag:s3] =	ssyncset.done $0x0  }
0x143: {  	[sflag:s3] =	ssyncadd.s32 $0xFFFF2000  }
0x144: {  	_ =	swait.ge [sflag:s3], $0xE000  }
0x145: {  	[sflag:s3] =	ssyncset.done $0x0  }
0x146: {  	[sflag:s3] =	ssyncadd.s32 $0xFFFF2000  }
0x147: {  	_ =	swait.ge [sflag:s3], $0xE000  }
0x148: {  	[sflag:s3] =	ssyncset.done $0x0  }
0x149: {  	[sflag:s3] =	ssyncadd.s32 $0xFFFF2000  }
0x14a: {  	_ =	swait.ge [sflag:s3], $0xE000  }
0x14b: {  	[sflag:s3] =	ssyncset.done $0x0  }
0x14c: {  	[sflag:s3] =	ssyncadd.s32 $0xFFFF2000  }
0x14d: {  	[tilespmem:s2], [sflag:$0x1] =	stream.linear.gather [hbm4b:s6+s2], $0xE000, $0x38;
	[tilespmem:$0x1C000] =	vst v63  }
0x14e: {  	_ =	swait.ge [sflag:s9], $0xE000  }
0x14f: {  	[sflag:s9] =	ssyncset.done $0x0  }
0x150: {  	[sflag:s9] =	ssyncadd.s32 $0xFFFF2000  }
0x151: {  	[hbm4b:s4+s2] =	stream.linear.scatter [tilespmem:s2], [sflag:$0x2], $0xE000, $0x38;
	[tilespmem:$0x1C000] =	vst v63  }
0x152: {  	_ = 	snop  }
0x153: {  	[hbm4b:s5+s2] =	stream.linear.scatter [tilespmem:s2], [sflag:$0x2], $0xE000, $0x38;
	[tilespmem:$0x1C000] =	vst v63  }
0x154: {  	_ = 	snop  }
0x155: {  	[hbm4b:s7+s2] =	stream.linear.scatter [tilespmem:s2], [sflag:$0x2], $0xE000, $0x38;
	[tilespmem:$0x1C000] =	vst v63  }
0x156: {  	_ = 	snop  }
0x157: {  	[hbm4b:s8+s2] =	stream.linear.scatter [tilespmem:s2], [sflag:$0x2], $0xE000, $0x38;
	[tilespmem:$0x1C000] =	vst v63  }
0x158: {  	_ =	swait.ge [sflag:s3], $0xE000  }
0x159: {  	[sflag:s3] =	ssyncset.done $0x0  }
0x15a: {  	[sflag:s3] =	ssyncadd.s32 $0xFFFF2000  }
0x15b: {  	_ =	swait.ge [sflag:s3], $0xE000  }
0x15c: {  	[sflag:s3] =	ssyncset.done $0x0  }
0x15d: {  	[sflag:s3] =	ssyncadd.s32 $0xFFFF2000  }
0x15e: {  	_ =	swait.ge [sflag:s3], $0xE000  }
0x15f: {  	[sflag:s3] =	ssyncset.done $0x0  }
0x160: {  	[sflag:s3] =	ssyncadd.s32 $0xFFFF2000  }
0x161: {  	_ =	swait.ge [sflag:s3], $0xE000  }
0x162: {  	[sflag:s3] =	ssyncset.done $0x0  }
0x163: {  	[sflag:s3] =	ssyncadd.s32 $0xFFFF2000  }
0x164: {  	_ =	swait.ge [sflag:s3], $0xE000  }
0x165: {  	[sflag:s3] =	ssyncset.done $0x0  }
0x166: {  	[sflag:s3] =	ssyncadd.s32 $0xFFFF2000  }
0x167: {  	_ =	swait.ge [sflag:s3], $0xE000  }
0x168: {  	[sflag:s3] =	ssyncset.done $0x0  }
0x169: {  	[sflag:s3] =	ssyncadd.s32 $0xFFFF2000  }
0x16a: {  	_ =	swait.ge [sflag:s3], $0xE000  }
0x16b: {  	[sflag:s3] =	ssyncset.done $0x0  }
0x16c: {  	[sflag:s3] =	ssyncadd.s32 $0xFFFF2000  }
0x16d: {  	_ =	swait.ge [sflag:s3], $0xE000  }
0x16e: {  	[sflag:s3] =	ssyncset.done $0x0  }
0x16f: {  	[sflag:s3] =	ssyncadd.s32 $0xFFFF2000  }
0x170: {  	_ =	sfence.sel $0x180000  }
0x171: {  	[bflag:$0x0] =	sbarrier.arrive $0xFFFF  }
0x172: {  	_ =	strace $0x90000047  }
0x173: {  	[bflag:$0x2] =	sbarrier.arrive $0xFFFF  }
0x174: {  	p0 =	sne.s32 s1, $0x0;
	s0 =	rddreg [dreg:$0x2]  }
0x175: {  	s0 =	sadd.s32 @!p0 $0x100000, s0  }
0x176: {  	[sflag:s0] =	ssyncadd.tile.s32 @!p0 $0x1;
	_ =	shalt  }
.Lfunc_end2:
_tile_overlayer_lowered:
.L_overlay_start_2:
0x177: {  	(tag) =	ssettag $0x2  }
0x178: {  	s0 =	rddreg [dreg:$0x0];
	s2 =	stileid.u32  }
0x179: {  	s1 =	rddreg [dreg:$0x1];
	p0 =	sne.s32 s2, $0x0  }
0x17a: {  	s3 =	rddreg [dreg:$0x2];
	[bflag:$0x3] =	sbarrier.arrive $0xFFFF;
	s2 =	simm.s32 @!p0 $0x1C03  }
0x17b: {  	[timem:s3], [sflag:s2] =	dma.local @!p0 [hbm:s0], s1  }
0x17c: {  	s0 =	simm.s32 @!p0 $0x3  }
0x17d: {  	_ =	swait.ge @!p0 [sflag:s0], s1  }
0x17e: {  	s1 =	ssub.s32 @!p0 $0x0, s1;
	[sflag:s0] =	ssyncset.done @!p0 $0x0  }
0x17f: {  	[sflag:s0] =	ssyncadd.s32 @!p0 s1  }
0x180: {  	[bflag:$0x3] =	sbarrier.arrive $0xFFFF  }
0x181: {  	_ =	shalt  }

</sc_bundles>
